<compile_context>
chip_gen: v7x
topology: tpu7x:2x2x1
jax: 0.10.2.dev20260603
libtpu: 0.0.44.dev20260713+nightly
codegen_flags: <defaults>
</compile_context>

<pallas_src>
import functools

import jax
import jax.numpy as jnp
from jax import lax
from jax.experimental import pallas as pl
from jax.experimental.pallas import tpu as pltpu
from jax.experimental.pallas import tpu_sc as plsc

_K = 64
_D = 8192
_L = 16
_NVREG = _D // _L
_NC, _NS = 2, 16
_NW = _NC * _NS

_MSB = -0x80000000
_M31 = 0x7FFFFFFF


def _skey(v):
    bits = lax.bitcast_convert_type(v, jnp.int32)
    sgn = lax.shift_right_arithmetic(bits, 31)
    return bits ^ (sgn & jnp.int32(_M31))


def _digit(sk):
    return lax.shift_right_logical(sk ^ jnp.int32(_MSB), 24)


_PRED = 0xC0


def _row_threshold(row_v, hist_v, ext_v):
    lane = lax.iota(jnp.int32, _L)
    zeros = jnp.zeros((_L,), jnp.int32)
    ones = jnp.ones((_L,), jnp.int32)

    @plsc.parallel_loop(
        0, _NVREG, unroll=8, carry=(jnp.full((_L,), _MSB, jnp.int32), zeros)
    )
    def histc(i, c):
        vm, b = c
        sk = _skey(row_v[pl.ds(i * _L, _L)])
        dig = _digit(sk)
        plsc.addupdate_scatter(hist_v, [(dig << 4) | lane], ones)
        m = dig == _PRED
        plsc.store_scatter(ext_v, [(b << 4) | lane], sk, mask=m)
        return (jnp.maximum(vm, sk), b + m.astype(jnp.int32))

    vmax, base0 = histc
    maxdig = _digit(jnp.max(vmax, axis=0))

    def bucket_count(d):
        return jnp.sum(hist_v[pl.ds(d * _L, _L)], axis=0)

    def wcond(c):
        _, above, cur = c
        return above + cur < _K

    def wstep(c):
        d, above, cur = c
        return (d - 1, above + cur, bucket_count(d - 1))

    bstar, above, _cur = lax.while_loop(
        wcond, wstep, (maxdig, jnp.int32(0), bucket_count(maxdig))
    )
    need = _K - above

    def ext_fallback():
        @plsc.parallel_loop(0, _NVREG, unroll=8, carry=zeros)
        def base(i, b):
            sk = _skey(row_v[pl.ds(i * _L, _L)])
            m = _digit(sk) == bstar
            plsc.store_scatter(ext_v, [(b << 4) | lane], sk, mask=m)
            return b + m.astype(jnp.int32)

        return base

    base = lax.cond(bstar == _PRED, lambda: base0, ext_fallback)
    nv = jnp.max(base, axis=0)

    def bcond(c):
        it, _, done = c
        return (it < 24) & jnp.logical_not(done)

    def bbody(c):
        it, cand, _ = c
        test = cand | (jnp.int32(1) << (23 - it))
        stest = test ^ jnp.int32(_MSB)

        @plsc.parallel_loop(0, nv, carry=zeros)
        def acc(j, a):
            valid = base > j
            hit = ext_v[pl.ds(j * _L, _L)] >= stest
            return a + (hit & valid).astype(jnp.int32)

        cnt = jnp.sum(acc, axis=0)
        return (it + 1, jnp.where(cnt >= need, test, cand), cnt == need)

    _, cand, _ = lax.while_loop(
        bcond, bbody, (jnp.int32(0), lax.shift_left(bstar, 24), need < 0)
    )
    sthr = cand ^ jnp.int32(_MSB)
    thr_bits = jnp.where(sthr >= 0, sthr, sthr ^ jnp.int32(_M31))
    return lax.bitcast_convert_type(zeros + thr_bits, jnp.float32)


def _apply(row_v, out_v, hist_v, thr):
    zeros = jnp.zeros((_L,), jnp.int32)

    @plsc.parallel_loop(0, 256, unroll=8)
    def _app_clr(i):
        v = row_v[pl.ds(i * _L, _L)]
        out_v[pl.ds(i * _L, _L)] = jnp.where(v >= thr, v, jnp.float32(0.0))
        hist_v[pl.ds(i * _L, _L)] = zeros

    @plsc.parallel_loop(256, _NVREG, unroll=8)
    def _app(i):
        v = row_v[pl.ds(i * _L, _L)]
        out_v[pl.ds(i * _L, _L)] = jnp.where(v >= thr, v, jnp.float32(0.0))


def _sc_body(rpw, x_hbm, o_hbm, in0, in1, out0, out1, hist_v, ext_v, si0, si1, so0, so1):
    wid = lax.axis_index("s") * _NC + lax.axis_index("c")
    row0 = wid * rpw
    last = row0 + rpw - 1

    pltpu.async_copy(x_hbm.at[row0], in0, si0)
    pltpu.async_copy(x_hbm.at[row0 + 1], in1, si1)

    @plsc.parallel_loop(0, 256, unroll=8)
    def _clr0(i):
        hist_v[pl.ds(i * _L, _L)] = jnp.zeros((_L,), jnp.int32)

    def half(t, r, in_v, out_v, sin, sout):
        pltpu.make_async_copy(x_hbm.at[0], in_v, sin).wait()
        thr = _row_threshold(in_v, hist_v, ext_v)
        _apply(in_v, out_v, hist_v, thr)

        @pl.when(t > 0)
        def _():
            pltpu.make_async_copy(out_v, o_hbm.at[0], sout).wait()

        pltpu.async_copy(out_v, o_hbm.at[r], sout)
        pltpu.async_copy(x_hbm.at[jnp.minimum(r + 2, last)], in_v, sin)

    def pair(t, c):
        r = row0 + 2 * t
        half(t, r, in0, out0, si0, so0)
        half(t, r + 1, in1, out1, si1, so1)
        return c

    lax.fori_loop(0, rpw // 2, pair, 0)
    pltpu.make_async_copy(out0, o_hbm.at[0], so0).wait()
    pltpu.make_async_copy(out1, o_hbm.at[0], so1).wait()
    pltpu.make_async_copy(x_hbm.at[0], in0, si0).wait()
    pltpu.make_async_copy(x_hbm.at[0], in1, si1).wait()


def _sc_topk(x):
    n_rows, D = x.shape
    rpw = n_rows // _NW
    mesh = plsc.VectorSubcoreMesh(core_axis_name="c", subcore_axis_name="s")
    return pl.kernel(
        functools.partial(_sc_body, rpw),
        out_type=jax.ShapeDtypeStruct((n_rows, D), jnp.float32),
        mesh=mesh,
        compiler_params=pltpu.CompilerParams(needs_layout_passes=False),
        cost_estimate=pl.CostEstimate(
            flops=30 * n_rows * D, transcendentals=0, bytes_accessed=8 * n_rows * D
        ),
        scratch_types=[
            pltpu.VMEM((D,), jnp.float32),
            pltpu.VMEM((D,), jnp.float32),
            pltpu.VMEM((D,), jnp.float32),
            pltpu.VMEM((D,), jnp.float32),
            pltpu.VMEM((256 * _L,), jnp.int32),
            pltpu.VMEM((D + _L,), jnp.int32),
            pltpu.SemaphoreType.DMA,
            pltpu.SemaphoreType.DMA,
            pltpu.SemaphoreType.DMA,
            pltpu.SemaphoreType.DMA,
        ],
    )(x)


def _tc_block(x_ref, o_ref):
    x = x_ref[...]
    bits = lax.bitcast_convert_type(x, jnp.int32)
    sgn = lax.shift_right_arithmetic(bits, 31)
    skey = bits ^ (sgn & jnp.int32(_M31))

    def body(i, ku):
        cand_u = ku | (jnp.int32(1) << (31 - i))
        scand = cand_u ^ jnp.int32(_MSB)
        cnt = jnp.sum((skey >= scand).astype(jnp.float32), axis=1, keepdims=True)
        return jnp.where(cnt >= _K, cand_u, ku)

    ku = lax.fori_loop(0, 32, body, jnp.zeros((x.shape[0], 1), jnp.int32), unroll=True)
    o_ref[...] = jnp.where(skey >= (ku ^ jnp.int32(_MSB)), x, jnp.float32(0.0))


def _tc_topk(x):
    n_rows, D = x.shape
    r = 128
    return pl.pallas_call(
        _tc_block,
        grid=(n_rows // r,),
        in_specs=[pl.BlockSpec((r, D), lambda i: (i, 0))],
        out_specs=pl.BlockSpec((r, D), lambda i: (i, 0)),
        out_shape=jax.ShapeDtypeStruct((n_rows, D), jnp.float32),
    )(x)


_TC_ROWS = 1920


@jax.jit
def kernel(features):
    B, L, D = features.shape
    n_rows = B * L
    x = features.reshape(n_rows, D)
    out_tc = _tc_topk(x[:_TC_ROWS])
    out_sc = _sc_topk(x[_TC_ROWS:])
    return jnp.concatenate([out_tc, out_sc], axis=0).reshape(B, L, D)

# --- scband reference (transcript-rebuilt; emitter-appended) ---
"""Pipeline reference for scband-per-layer-top-k-70239895159490 (READ-ONLY COPY).

The authoritative reference and input builder live on the scoring server;
editing this copy changes nothing except your own understanding.
"""

import jax, jax.numpy as jnp
import numpy as np

K = 64

def setup_inputs(seed: int = 0) -> dict:
    key = jax.random.key(seed)
    features = jax.random.normal(key, (128, 32, 8192), dtype=jnp.float32)
    return {"features": features}

def reference(features):
    # topk over last dim, scatter values back into a zero tensor at their original indices
    topk_vals, topk_idxs = jax.lax.top_k(features, K)
    B, L, D = features.shape
    b = jnp.arange(B)[:, None, None]
    l = jnp.arange(L)[None, :, None]
    topk_features = jnp.zeros_like(features)
    topk_features = topk_features.at[b, l, topk_idxs].set(topk_vals)
    return topk_features

if __name__ == "__main__":
    import jax
    _d = setup_inputs()
    print(jax.jit(kernel)(*tuple(_d.values())))

</pallas_src>

<mosaic_0001>
#map = affine_map<(d0, d1) -> (0, 0)>
module attributes {stable_mosaic.version = 14 : i64} {
  func.func @_sc_body(%arg0: i32, %arg1: i32, %arg2: memref<2176x8192xf32, #tpu.memory_space<hbm>>, %arg3: memref<2176x8192xf32, #tpu.memory_space<hbm>>, %arg4: memref<8192xf32, #tpu.memory_space<vmem>>, %arg5: memref<8192xf32, #tpu.memory_space<vmem>>, %arg6: memref<8192xf32, #tpu.memory_space<vmem>>, %arg7: memref<8192xf32, #tpu.memory_space<vmem>>, %arg8: memref<4096xi32, #tpu.memory_space<vmem>>, %arg9: memref<8208xi32, #tpu.memory_space<vmem>>, %arg10: memref<!tpu.dma_semaphore, #tpu.memory_space<semaphore_mem>>, %arg11: memref<!tpu.dma_semaphore, #tpu.memory_space<semaphore_mem>>, %arg12: memref<!tpu.dma_semaphore, #tpu.memory_space<semaphore_mem>>, %arg13: memref<!tpu.dma_semaphore, #tpu.memory_space<semaphore_mem>>) attributes {dimension_semantics = [#tpu.dimension_semantics<core_parallel>, #tpu.dimension_semantics<subcore_parallel>], iteration_bounds = array<i64: 2, 16>, scalar_prefetch = 0 : i64, scratch_operands = 10 : i64, tpu.core_type = #tpu.core_type<sc_vector_subcore>, window_params = [{transform_indices = #map}, {transform_indices = #map}]} {
    %mul3A = arith.constant 2 : i32
    %mul3A_0 = arith.muli %arg1, %mul3A : i32
    %add3A = arith.addi %mul3A_0, %arg0 : i32
    %mul3A_1 = arith.constant 68 : i32
    %mul3A_2 = arith.muli %add3A, %mul3A_1 : i32
    %add3A_3 = arith.constant 68 : i32
    %add3A_4 = arith.addi %mul3A_2, %add3A_3 : i32
    %sub3A = arith.constant 1 : i32
    %sub3A_5 = arith.subi %add3A_4, %sub3A : i32
    %dma_start3A = arith.constant 0 : i32
    %dma_start3A_6 = tpu.memref_slice %arg2[%mul3A_2, %dma_start3A] : memref<2176x8192xf32, #tpu.memory_space<hbm>> -> memref<1x8192xf32, #tpu.memory_space<hbm>>
    %dma_start3A_7 = tpu.memref_squeeze %dma_start3A_6 : memref<1x8192xf32, #tpu.memory_space<hbm>> -> memref<8192xf32, #tpu.memory_space<hbm>>
    %dma_start3A_8 = arith.constant 0 : i32
    %dma_start3A_9 = tpu.memref_slice %arg2[%mul3A_2, %dma_start3A_8] : memref<2176x8192xf32, #tpu.memory_space<hbm>> -> memref<1x8192xf32, #tpu.memory_space<hbm>>
    %dma_start3A_10 = tpu.memref_squeeze %dma_start3A_9 : memref<1x8192xf32, #tpu.memory_space<hbm>> -> memref<8192xf32, #tpu.memory_space<hbm>>
    tpu.enqueue_dma source(%dma_start3A_10 : memref<8192xf32, #tpu.memory_space<hbm>>) target(%arg4 : memref<8192xf32, #tpu.memory_space<vmem>>) target_semaphore(%arg10 : memref<!tpu.dma_semaphore, #tpu.memory_space<semaphore_mem>>)
    %add3A_11 = arith.constant 1 : i32
    %add3A_12 = arith.addi %mul3A_2, %add3A_11 : i32
    %dma_start3A_13 = arith.constant 0 : i32
    %dma_start3A_14 = tpu.memref_slice %arg2[%add3A_12, %dma_start3A_13] : memref<2176x8192xf32, #tpu.memory_space<hbm>> -> memref<1x8192xf32, #tpu.memory_space<hbm>>
    %dma_start3A_15 = tpu.memref_squeeze %dma_start3A_14 : memref<1x8192xf32, #tpu.memory_space<hbm>> -> memref<8192xf32, #tpu.memory_space<hbm>>
    %dma_start3A_16 = arith.constant 0 : i32
    %dma_start3A_17 = tpu.memref_slice %arg2[%add3A_12, %dma_start3A_16] : memref<2176x8192xf32, #tpu.memory_space<hbm>> -> memref<1x8192xf32, #tpu.memory_space<hbm>>
    %dma_start3A_18 = tpu.memref_squeeze %dma_start3A_17 : memref<1x8192xf32, #tpu.memory_space<hbm>> -> memref<8192xf32, #tpu.memory_space<hbm>>
    tpu.enqueue_dma source(%dma_start3A_18 : memref<8192xf32, #tpu.memory_space<hbm>>) target(%arg5 : memref<8192xf32, #tpu.memory_space<vmem>>) target_semaphore(%arg11 : memref<!tpu.dma_semaphore, #tpu.memory_space<semaphore_mem>>)
    %parallel_loop3A = arith.constant 0 : i32
    %parallel_loop3A_19 = arith.constant 256 : i32
    %parallel_loop3A_20 = arith.constant 1 : i32
    scf.for %parallel_loop3A_53 = %parallel_loop3A to %parallel_loop3A_19 step %parallel_loop3A_20  : i32 {
      %parallel_loop3A_54 = arith.constant 0 : i32
      %parallel_loop3A_55 = vector.broadcast %parallel_loop3A_54 : i32 to vector<16xi32>
      %parallel_loop3A_56 = arith.constant 16 : i32
      %parallel_loop3A_57 = arith.muli %parallel_loop3A_53, %parallel_loop3A_56 : i32
      %parallel_loop3A_58 = arith.index_cast %parallel_loop3A_57 : i32 to index
      %parallel_loop3A_59 = tpu.vector_load %arg8[%parallel_loop3A_58] {strides = array<i32>} : memref<4096xi32, #tpu.memory_space<vmem>>, vector<16xi32>,
      tpu.vector_store %arg8[%parallel_loop3A_58], %parallel_loop3A_55 {strides = array<i32>} : memref<4096xi32, #tpu.memory_space<vmem>>, vector<16xi32>,
    } {sc.loop_unroll_factor = 8 : i64, sc.parallel_access}
    %scan3A = arith.constant 0 : i32
    %scan3A_21 = arith.constant 0 : i32
    %scan3A_22 = arith.constant 34 : i32
    %scan3A_23 = arith.addi %scan3A_21, %scan3A_22 : i32
    %scan3A_24 = arith.constant 1 : i32
    scf.for %scan3A_53 = %scan3A_21 to %scan3A_23 step %scan3A_24  : i32 {
      %mul3A_54 = arith.constant 2 : i32
      %mul3A_55 = arith.muli %mul3A_54, %scan3A_53 : i32
      %add3A_56 = arith.addi %mul3A_2, %mul3A_55 : i32
      %dma_wait3A_57 = arith.constant 0 : i32
      %dma_wait3A_58 = arith.constant 0 : i32
      %dma_wait3A_59 = tpu.memref_slice %arg2[%dma_wait3A_57, %dma_wait3A_58] : memref<2176x8192xf32, #tpu.memory_space<hbm>> -> memref<1x8192xf32, #tpu.memory_space<hbm>>
      %dma_wait3A_60 = tpu.memref_squeeze %dma_wait3A_59 : memref<1x8192xf32, #tpu.memory_space<hbm>> -> memref<8192xf32, #tpu.memory_space<hbm>>
      %dma_wait3A_61 = arith.constant 0 : i32
      %dma_wait3A_62 = tpu.memref_slice %arg2[%dma_wait3A_57, %dma_wait3A_61] : memref<2176x8192xf32, #tpu.memory_space<hbm>> -> memref<1x8192xf32, #tpu.memory_space<hbm>>
      %dma_wait3A_63 = tpu.memref_squeeze %dma_wait3A_62 : memref<1x8192xf32, #tpu.memory_space<hbm>> -> memref<8192xf32, #tpu.memory_space<hbm>>
      tpu.wait_dma2 semaphore(%arg10 : memref<!tpu.dma_semaphore, #tpu.memory_space<semaphore_mem>>) src(%dma_wait3A_63 : memref<8192xf32, #tpu.memory_space<hbm>>) dst(%arg4 : memref<8192xf32, #tpu.memory_space<vmem>>)
      %iota3A = tpu.iota {dimensions = array<i32: 0>} : vector<16xi32>
      %broadcast_in_dim3A = arith.constant 0 : i32
      %broadcast_in_dim3A_64 = vector.broadcast %broadcast_in_dim3A : i32 to vector<16xi32>
      %broadcast_in_dim3A_65 = arith.constant 1 : i32
      %broadcast_in_dim3A_66 = vector.broadcast %broadcast_in_dim3A_65 : i32 to vector<16xi32>
      %broadcast_in_dim3A_67 = arith.constant -2147483648 : i32
      %broadcast_in_dim3A_68 = vector.broadcast %broadcast_in_dim3A_67 : i32 to vector<16xi32>
      %parallel_loop3A_69 = arith.constant 0 : i32
      %parallel_loop3A_70 = arith.constant 512 : i32
      %parallel_loop3A_71 = arith.constant 1 : i32
      %parallel_loop3A_72:2 = scf.for %parallel_loop3A_241 = %parallel_loop3A_69 to %parallel_loop3A_70 step %parallel_loop3A_71 iter_args(%parallel_loop3A_242 = %broadcast_in_dim3A_68, %parallel_loop3A_243 = %broadcast_in_dim3A_64) -> (vector<16xi32>, vector<16xi32>)  : i32 {
        %parallel_loop3A_244 = arith.constant 16 : i32
        %parallel_loop3A_245 = arith.muli %parallel_loop3A_241, %parallel_loop3A_244 : i32
        %parallel_loop3A_246 = arith.index_cast %parallel_loop3A_245 : i32 to index
        %parallel_loop3A_247 = tpu.vector_load %arg4[%parallel_loop3A_246] {strides = array<i32>} : memref<8192xf32, #tpu.memory_space<vmem>>, vector<16xf32>,
        %parallel_loop3A_248 = tpu.bitcast %parallel_loop3A_247 : vector<16xf32> -> vector<16xi32>
        %parallel_loop3A_249 = arith.constant 31 : i32
        %parallel_loop3A_250 = vector.broadcast %parallel_loop3A_249 : i32 to vector<16xi32>
        %parallel_loop3A_251 = arith.shrsi %parallel_loop3A_248, %parallel_loop3A_250 : vector<16xi32>
        %parallel_loop3A_252 = arith.constant 2147483647 : i32
        %parallel_loop3A_253 = vector.broadcast %parallel_loop3A_252 : i32 to vector<16xi32>
        %parallel_loop3A_254 = arith.andi %parallel_loop3A_251, %parallel_loop3A_253 : vector<16xi32>
        %parallel_loop3A_255 = arith.xori %parallel_loop3A_248, %parallel_loop3A_254 : vector<16xi32>
        %parallel_loop3A_256 = arith.constant -2147483648 : i32
        %parallel_loop3A_257 = vector.broadcast %parallel_loop3A_256 : i32 to vector<16xi32>
        %parallel_loop3A_258 = arith.xori %parallel_loop3A_255, %parallel_loop3A_257 : vector<16xi32>
        %parallel_loop3A_259 = arith.constant 24 : i32
        %parallel_loop3A_260 = vector.broadcast %parallel_loop3A_259 : i32 to vector<16xi32>
        %parallel_loop3A_261 = arith.shrui %parallel_loop3A_258, %parallel_loop3A_260 : vector<16xi32>
        %parallel_loop3A_262 = arith.constant 4 : i32
        %parallel_loop3A_263 = vector.broadcast %parallel_loop3A_262 : i32 to vector<16xi32>
        %parallel_loop3A_264 = arith.shli %parallel_loop3A_261, %parallel_loop3A_263 : vector<16xi32>
        %parallel_loop3A_265 = arith.ori %parallel_loop3A_264, %iota3A : vector<16xi32>
        tpu.vector_store_idx %arg8[%parallel_loop3A_265], %broadcast_in_dim3A_66 {add = true} : memref<4096xi32, #tpu.memory_space<vmem>>[vector<16xi32>], vector<16xi32>,
        %parallel_loop3A_266 = arith.constant 192 : i32
        %parallel_loop3A_267 = vector.broadcast %parallel_loop3A_266 : i32 to vector<16xi32>
        %parallel_loop3A_268 = arith.cmpi eq, %parallel_loop3A_261, %parallel_loop3A_267 : vector<16xi32>
        %parallel_loop3A_269 = arith.constant 4 : i32
        %parallel_loop3A_270 = vector.broadcast %parallel_loop3A_269 : i32 to vector<16xi32>
        %parallel_loop3A_271 = arith.shli %parallel_loop3A_243, %parallel_loop3A_270 : vector<16xi32>
        %parallel_loop3A_272 = arith.ori %parallel_loop3A_271, %iota3A : vector<16xi32>
        tpu.vector_store_idx %arg9[%parallel_loop3A_272], %parallel_loop3A_255 masked %parallel_loop3A_268 : memref<8208xi32, #tpu.memory_space<vmem>>[vector<16xi32>], vector<16xi32>, vector<16xi1>
        %parallel_loop3A_273 = arith.maxsi %parallel_loop3A_242, %parallel_loop3A_255 : vector<16xi32>
        %parallel_loop3A_274 = arith.extui %parallel_loop3A_268 : vector<16xi1> to vector<16xi32>
        %parallel_loop3A_275 = arith.addi %parallel_loop3A_243, %parallel_loop3A_274 : vector<16xi32>
        scf.yield %parallel_loop3A_273, %parallel_loop3A_275 : vector<16xi32>, vector<16xi32>
      } {sc.loop_unroll_factor = 8 : i64, sc.parallel_access}
      %reduce_max3A = arith.constant true
      %reduce_max3A_73 = vector.broadcast %reduce_max3A : i1 to vector<16xi1>
      %reduce_max3A_74 = arith.constant -2147483648 : i32
      %reduce_max3A_75 = vector.broadcast %reduce_max3A_74 : i32 to vector<16xi32>
      %reduce_max3A_76 = arith.xori %parallel_loop3A_72#0, %reduce_max3A_75 : vector<16xi32>
      %reduce_max3A_77 = tpu.scan <max>, %reduce_max3A_76 masked %reduce_max3A_73 : vector<16xi32>, vector<16xi1> -> vector<16xi32>
      %reduce_max3A_78 = arith.xori %reduce_max3A_77, %reduce_max3A_75 : vector<16xi32>
      %reduce_max3A_79 = vector.extract %reduce_max3A_78[15] : i32 from vector<16xi32>
      %xor3A = arith.constant -2147483648 : i32
      %xor3A_80 = arith.xori %reduce_max3A_79, %xor3A : i32
      %shift_right_logical3A = arith.constant 24 : i32
      %shift_right_logical3A_81 = arith.shrui %xor3A_80, %shift_right_logical3A : i32
      %mul3A_82 = arith.constant 16 : i32
      %mul3A_83 = arith.muli %shift_right_logical3A_81, %mul3A_82 : i32
      %get3A = arith.index_cast %mul3A_83 : i32 to index
      %get3A_84 = tpu.vector_load %arg8[%get3A] {strides = array<i32>} : memref<4096xi32, #tpu.memory_space<vmem>>, vector<16xi32>,
      %reduce_sum3A = arith.constant true
      %reduce_sum3A_85 = vector.broadcast %reduce_sum3A : i1 to vector<16xi1>
      %reduce_sum3A_86 = tpu.scan <sum>, %get3A_84 masked %reduce_sum3A_85 : vector<16xi32>, vector<16xi1> -> vector<16xi32>
      %reduce_sum3A_87 = vector.extract %reduce_sum3A_86[15] : i32 from vector<16xi32>
      %while3A = arith.constant 0 : i32
      %while3A_88:3 = scf.while (%while3A_241 = %shift_right_logical3A_81, %while3A_242 = %while3A, %while3A_243 = %reduce_sum3A_87) : (i32, i32, i32) -> (i32, i32, i32) {
        %add3A_244 = arith.addi %while3A_242, %while3A_243 : i32
        %lt3A_245 = arith.constant 64 : i32
        %lt3A_246 = arith.cmpi slt, %add3A_244, %lt3A_245 : i32
        scf.condition(%lt3A_246) %while3A_241, %while3A_242, %while3A_243 : i32, i32, i32
      } do {
      ^bb0(%while3A_241: i32, %while3A_242: i32, %while3A_243: i32):
        %sub3A_244 = arith.constant 1 : i32
        %sub3A_245 = arith.subi %while3A_241, %sub3A_244 : i32
        %add3A_246 = arith.addi %while3A_242, %while3A_243 : i32
        %sub3A_247 = arith.constant 1 : i32
        %sub3A_248 = arith.subi %while3A_241, %sub3A_247 : i32
        %mul3A_249 = arith.constant 16 : i32
        %mul3A_250 = arith.muli %sub3A_248, %mul3A_249 : i32
        %get3A_251 = arith.index_cast %mul3A_250 : i32 to index
        %get3A_252 = tpu.vector_load %arg8[%get3A_251] {strides = array<i32>} : memref<4096xi32, #tpu.memory_space<vmem>>, vector<16xi32>,
        %reduce_sum3A_253 = arith.constant true
        %reduce_sum3A_254 = vector.broadcast %reduce_sum3A_253 : i1 to vector<16xi1>
        %reduce_sum3A_255 = tpu.scan <sum>, %get3A_252 masked %reduce_sum3A_254 : vector<16xi32>, vector<16xi1> -> vector<16xi32>
        %reduce_sum3A_256 = vector.extract %reduce_sum3A_255[15] : i32 from vector<16xi32>
        scf.yield %sub3A_245, %add3A_246, %reduce_sum3A_256 : i32, i32, i32
      }
      %sub3A_89 = arith.constant 64 : i32
      %sub3A_90 = arith.subi %sub3A_89, %while3A_88#1 : i32
      %eq3A = arith.constant 192 : i32
      %eq3A_91 = arith.cmpi eq, %while3A_88#0, %eq3A : i32
      %convert_element_type3A = arith.extui %eq3A_91 : i1 to i32
      %cond3A = arith.constant 0 : i32
      %cond3A_92 = arith.cmpi ne, %convert_element_type3A, %cond3A : i32
      %cond3A_93 = scf.if %cond3A_92 -> (vector<16xi32>) {
        scf.yield %parallel_loop3A_72#1 : vector<16xi32>
      } else {
        %parallel_loop3A_241 = arith.constant 0 : i32
        %parallel_loop3A_242 = arith.constant 512 : i32
        %parallel_loop3A_243 = arith.constant 1 : i32
        %parallel_loop3A_244 = scf.for %parallel_loop3A_245 = %parallel_loop3A_241 to %parallel_loop3A_242 step %parallel_loop3A_243 iter_args(%parallel_loop3A_246 = %broadcast_in_dim3A_64) -> (vector<16xi32>)  : i32 {
          %parallel_loop3A_247 = arith.constant 16 : i32
          %parallel_loop3A_248 = arith.muli %parallel_loop3A_245, %parallel_loop3A_247 : i32
          %parallel_loop3A_249 = arith.index_cast %parallel_loop3A_248 : i32 to index
          %parallel_loop3A_250 = tpu.vector_load %arg4[%parallel_loop3A_249] {strides = array<i32>} : memref<8192xf32, #tpu.memory_space<vmem>>, vector<16xf32>,
          %parallel_loop3A_251 = tpu.bitcast %parallel_loop3A_250 : vector<16xf32> -> vector<16xi32>
          %parallel_loop3A_252 = arith.constant 31 : i32
          %parallel_loop3A_253 = vector.broadcast %parallel_loop3A_252 : i32 to vector<16xi32>
          %parallel_loop3A_254 = arith.shrsi %parallel_loop3A_251, %parallel_loop3A_253 : vector<16xi32>
          %parallel_loop3A_255 = arith.constant 2147483647 : i32
          %parallel_loop3A_256 = vector.broadcast %parallel_loop3A_255 : i32 to vector<16xi32>
          %parallel_loop3A_257 = arith.andi %parallel_loop3A_254, %parallel_loop3A_256 : vector<16xi32>
          %parallel_loop3A_258 = arith.xori %parallel_loop3A_251, %parallel_loop3A_257 : vector<16xi32>
          %parallel_loop3A_259 = arith.constant -2147483648 : i32
          %parallel_loop3A_260 = vector.broadcast %parallel_loop3A_259 : i32 to vector<16xi32>
          %parallel_loop3A_261 = arith.xori %parallel_loop3A_258, %parallel_loop3A_260 : vector<16xi32>
          %parallel_loop3A_262 = arith.constant 24 : i32
          %parallel_loop3A_263 = vector.broadcast %parallel_loop3A_262 : i32 to vector<16xi32>
          %parallel_loop3A_264 = arith.shrui %parallel_loop3A_261, %parallel_loop3A_263 : vector<16xi32>
          %parallel_loop3A_265 = vector.broadcast %while3A_88#0 : i32 to vector<16xi32>
          %parallel_loop3A_266 = arith.cmpi eq, %parallel_loop3A_264, %parallel_loop3A_265 : vector<16xi32>
          %parallel_loop3A_267 = arith.constant 4 : i32
          %parallel_loop3A_268 = vector.broadcast %parallel_loop3A_267 : i32 to vector<16xi32>
          %parallel_loop3A_269 = arith.shli %parallel_loop3A_246, %parallel_loop3A_268 : vector<16xi32>
          %parallel_loop3A_270 = arith.ori %parallel_loop3A_269, %iota3A : vector<16xi32>
          tpu.vector_store_idx %arg9[%parallel_loop3A_270], %parallel_loop3A_258 masked %parallel_loop3A_266 : memref<8208xi32, #tpu.memory_space<vmem>>[vector<16xi32>], vector<16xi32>, vector<16xi1>
          %parallel_loop3A_271 = arith.extui %parallel_loop3A_266 : vector<16xi1> to vector<16xi32>
          %parallel_loop3A_272 = arith.addi %parallel_loop3A_246, %parallel_loop3A_271 : vector<16xi32>
          scf.yield %parallel_loop3A_272 : vector<16xi32>
        } {sc.loop_unroll_factor = 8 : i64, sc.parallel_access}
        scf.yield %parallel_loop3A_244 : vector<16xi32>
      }
      %reduce_max3A_94 = arith.constant true
      %reduce_max3A_95 = vector.broadcast %reduce_max3A_94 : i1 to vector<16xi1>
      %reduce_max3A_96 = arith.constant -2147483648 : i32
      %reduce_max3A_97 = vector.broadcast %reduce_max3A_96 : i32 to vector<16xi32>
      %reduce_max3A_98 = arith.xori %cond3A_93, %reduce_max3A_97 : vector<16xi32>
      %reduce_max3A_99 = tpu.scan <max>, %reduce_max3A_98 masked %reduce_max3A_95 : vector<16xi32>, vector<16xi1> -> vector<16xi32>
      %reduce_max3A_100 = arith.xori %reduce_max3A_99, %reduce_max3A_97 : vector<16xi32>
      %reduce_max3A_101 = vector.extract %reduce_max3A_100[15] : i32 from vector<16xi32>
      %shift_left3A = arith.constant 24 : i32
      %shift_left3A_102 = arith.shli %while3A_88#0, %shift_left3A : i32
      %lt3A = arith.constant 0 : i32
      %lt3A_103 = arith.cmpi slt, %sub3A_90, %lt3A : i32
      %while3A_104 = arith.constant 0 : i32
      %while3A_105:3 = scf.while (%while3A_241 = %while3A_104, %while3A_242 = %shift_left3A_102, %while3A_243 = %lt3A_103) : (i32, i32, i1) -> (i32, i32, i1) {
        %lt3A_244 = arith.constant 24 : i32
        %lt3A_245 = arith.cmpi slt, %while3A_241, %lt3A_244 : i32
        %not3A = arith.constant true
        %not3A_246 = arith.xori %while3A_243, %not3A : i1
        %and3A = arith.andi %lt3A_245, %not3A_246 : i1
        scf.condition(%and3A) %while3A_241, %while3A_242, %while3A_243 : i32, i32, i1
      } do {
      ^bb0(%while3A_241: i32, %while3A_242: i32, %while3A_243: i1):
        %sub3A_244 = arith.constant 23 : i32
        %sub3A_245 = arith.subi %sub3A_244, %while3A_241 : i32
        %shift_left3A_246 = arith.constant 1 : i32
        %shift_left3A_247 = arith.shli %shift_left3A_246, %sub3A_245 : i32
        %or3A = arith.ori %while3A_242, %shift_left3A_247 : i32
        %xor3A_248 = arith.constant -2147483648 : i32
        %xor3A_249 = arith.xori %or3A, %xor3A_248 : i32
        %parallel_loop3A_250 = arith.constant 0 : i32
        %parallel_loop3A_251 = arith.constant 1 : i32
        %parallel_loop3A_252 = scf.for %parallel_loop3A_262 = %parallel_loop3A_250 to %reduce_max3A_101 step %parallel_loop3A_251 iter_args(%parallel_loop3A_263 = %broadcast_in_dim3A_64) -> (vector<16xi32>)  : i32 {
          %parallel_loop3A_264 = vector.broadcast %parallel_loop3A_262 : i32 to vector<16xi32>
          %parallel_loop3A_265 = arith.cmpi sgt, %cond3A_93, %parallel_loop3A_264 : vector<16xi32>
          %parallel_loop3A_266 = arith.constant 16 : i32
          %parallel_loop3A_267 = arith.muli %parallel_loop3A_262, %parallel_loop3A_266 : i32
          %parallel_loop3A_268 = arith.index_cast %parallel_loop3A_267 : i32 to index
          %parallel_loop3A_269 = tpu.vector_load %arg9[%parallel_loop3A_268] {strides = array<i32>} : memref<8208xi32, #tpu.memory_space<vmem>>, vector<16xi32>,
          %parallel_loop3A_270 = vector.broadcast %xor3A_249 : i32 to vector<16xi32>
          %parallel_loop3A_271 = arith.cmpi sge, %parallel_loop3A_269, %parallel_loop3A_270 : vector<16xi32>
          %parallel_loop3A_272 = arith.andi %parallel_loop3A_271, %parallel_loop3A_265 : vector<16xi1>
          %parallel_loop3A_273 = arith.extui %parallel_loop3A_272 : vector<16xi1> to vector<16xi32>
          %parallel_loop3A_274 = arith.addi %parallel_loop3A_263, %parallel_loop3A_273 : vector<16xi32>
          scf.yield %parallel_loop3A_274 : vector<16xi32>
        } {sc.loop_unroll_factor = 1 : i64, sc.parallel_access}
        %reduce_sum3A_253 = arith.constant true
        %reduce_sum3A_254 = vector.broadcast %reduce_sum3A_253 : i1 to vector<16xi1>
        %reduce_sum3A_255 = tpu.scan <sum>, %parallel_loop3A_252 masked %reduce_sum3A_254 : vector<16xi32>, vector<16xi1> -> vector<16xi32>
        %reduce_sum3A_256 = vector.extract %reduce_sum3A_255[15] : i32 from vector<16xi32>
        %add3A_257 = arith.constant 1 : i32
        %add3A_258 = arith.addi %while3A_241, %add3A_257 : i32
        %ge3A_259 = arith.cmpi sge, %reduce_sum3A_256, %sub3A_90 : i32
        %select_n3A_260 = arith.select %ge3A_259, %or3A, %while3A_242 : i32
        %eq3A_261 = arith.cmpi eq, %reduce_sum3A_256, %sub3A_90 : i32
        scf.yield %add3A_258, %select_n3A_260, %eq3A_261 : i32, i32, i1
      }
      %xor3A_106 = arith.constant -2147483648 : i32
      %xor3A_107 = arith.xori %while3A_105#1, %xor3A_106 : i32
      %ge3A = arith.constant 0 : i32
      %ge3A_108 = arith.cmpi sge, %xor3A_107, %ge3A : i32
      %xor3A_109 = arith.constant 2147483647 : i32
      %xor3A_110 = arith.xori %xor3A_107, %xor3A_109 : i32
      %select_n3A = arith.select %ge3A_108, %xor3A_107, %xor3A_110 : i32
      %add3A_111 = vector.broadcast %select_n3A : i32 to vector<16xi32>
      %add3A_112 = arith.addi %broadcast_in_dim3A_64, %add3A_111 : vector<16xi32>
      %bitcast_convert_type3A = tpu.bitcast %add3A_112 : vector<16xi32> -> vector<16xf32>
      %broadcast_in_dim3A_113 = arith.constant 0 : i32
      %broadcast_in_dim3A_114 = vector.broadcast %broadcast_in_dim3A_113 : i32 to vector<16xi32>
      %parallel_loop3A_115 = arith.constant 0 : i32
      %parallel_loop3A_116 = arith.constant 256 : i32
      %parallel_loop3A_117 = arith.constant 1 : i32
      scf.for %parallel_loop3A_241 = %parallel_loop3A_115 to %parallel_loop3A_116 step %parallel_loop3A_117  : i32 {
        %parallel_loop3A_242 = arith.constant 16 : i32
        %parallel_loop3A_243 = arith.muli %parallel_loop3A_241, %parallel_loop3A_242 : i32
        %parallel_loop3A_244 = arith.index_cast %parallel_loop3A_243 : i32 to index
        %parallel_loop3A_245 = tpu.vector_load %arg4[%parallel_loop3A_244] {strides = array<i32>} : memref<8192xf32, #tpu.memory_space<vmem>>, vector<16xf32>,
        %parallel_loop3A_246 = arith.cmpf oge, %parallel_loop3A_245, %bitcast_convert_type3A : vector<16xf32>
        %parallel_loop3A_247 = arith.constant 0.000000e+00 : f32
        %parallel_loop3A_248 = vector.broadcast %parallel_loop3A_247 : f32 to vector<16xf32>
        %parallel_loop3A_249 = arith.select %parallel_loop3A_246, %parallel_loop3A_245, %parallel_loop3A_248 : vector<16xi1>, vector<16xf32>
        %parallel_loop3A_250 = arith.constant 16 : i32
        %parallel_loop3A_251 = arith.muli %parallel_loop3A_241, %parallel_loop3A_250 : i32
        %parallel_loop3A_252 = arith.index_cast %parallel_loop3A_251 : i32 to index
        %parallel_loop3A_253 = tpu.vector_load %arg6[%parallel_loop3A_252] {strides = array<i32>} : memref<8192xf32, #tpu.memory_space<vmem>>, vector<16xf32>,
        tpu.vector_store %arg6[%parallel_loop3A_252], %parallel_loop3A_249 {strides = array<i32>} : memref<8192xf32, #tpu.memory_space<vmem>>, vector<16xf32>,
        %parallel_loop3A_254 = arith.constant 16 : i32
        %parallel_loop3A_255 = arith.muli %parallel_loop3A_241, %parallel_loop3A_254 : i32
        %parallel_loop3A_256 = arith.index_cast %parallel_loop3A_255 : i32 to index
        %parallel_loop3A_257 = tpu.vector_load %arg8[%parallel_loop3A_256] {strides = array<i32>} : memref<4096xi32, #tpu.memory_space<vmem>>, vector<16xi32>,
        tpu.vector_store %arg8[%parallel_loop3A_256], %broadcast_in_dim3A_114 {strides = array<i32>} : memref<4096xi32, #tpu.memory_space<vmem>>, vector<16xi32>,
      } {sc.loop_unroll_factor = 8 : i64, sc.parallel_access}
      %parallel_loop3A_118 = arith.constant 256 : i32
      %parallel_loop3A_119 = arith.constant 512 : i32
      %parallel_loop3A_120 = arith.constant 1 : i32
      scf.for %parallel_loop3A_241 = %parallel_loop3A_118 to %parallel_loop3A_119 step %parallel_loop3A_120  : i32 {
        %parallel_loop3A_242 = arith.constant 16 : i32
        %parallel_loop3A_243 = arith.muli %parallel_loop3A_241, %parallel_loop3A_242 : i32
        %parallel_loop3A_244 = arith.index_cast %parallel_loop3A_243 : i32 to index
        %parallel_loop3A_245 = tpu.vector_load %arg4[%parallel_loop3A_244] {strides = array<i32>} : memref<8192xf32, #tpu.memory_space<vmem>>, vector<16xf32>,
        %parallel_loop3A_246 = arith.cmpf oge, %parallel_loop3A_245, %bitcast_convert_type3A : vector<16xf32>
        %parallel_loop3A_247 = arith.constant 0.000000e+00 : f32
        %parallel_loop3A_248 = vector.broadcast %parallel_loop3A_247 : f32 to vector<16xf32>
        %parallel_loop3A_249 = arith.select %parallel_loop3A_246, %parallel_loop3A_245, %parallel_loop3A_248 : vector<16xi1>, vector<16xf32>
        %parallel_loop3A_250 = arith.constant 16 : i32
        %parallel_loop3A_251 = arith.muli %parallel_loop3A_241, %parallel_loop3A_250 : i32
        %parallel_loop3A_252 = arith.index_cast %parallel_loop3A_251 : i32 to index
        %parallel_loop3A_253 = tpu.vector_load %arg6[%parallel_loop3A_252] {strides = array<i32>} : memref<8192xf32, #tpu.memory_space<vmem>>, vector<16xf32>,
        tpu.vector_store %arg6[%parallel_loop3A_252], %parallel_loop3A_249 {strides = array<i32>} : memref<8192xf32, #tpu.memory_space<vmem>>, vector<16xf32>,
      } {sc.loop_unroll_factor = 8 : i64, sc.parallel_access}
      %gt3A = arith.constant 0 : i32
      %gt3A_121 = arith.cmpi sgt, %scan3A_53, %gt3A : i32
      %convert_element_type3A_122 = arith.extui %gt3A_121 : i1 to i32
      %cond3A_123 = arith.constant 0 : i32
      %cond3A_124 = arith.cmpi ne, %convert_element_type3A_122, %cond3A_123 : i32
      scf.if %cond3A_124 {
        %dma_wait3A_241 = arith.constant 0 : i32
        %dma_wait3A_242 = arith.constant 0 : i32
        %dma_wait3A_243 = tpu.memref_slice %arg3[%dma_wait3A_241, %dma_wait3A_242] : memref<2176x8192xf32, #tpu.memory_space<hbm>> -> memref<1x8192xf32, #tpu.memory_space<hbm>>
        %dma_wait3A_244 = tpu.memref_squeeze %dma_wait3A_243 : memref<1x8192xf32, #tpu.memory_space<hbm>> -> memref<8192xf32, #tpu.memory_space<hbm>>
        %dma_wait3A_245 = arith.constant 0 : i32
        %dma_wait3A_246 = tpu.memref_slice %arg3[%dma_wait3A_241, %dma_wait3A_245] : memref<2176x8192xf32, #tpu.memory_space<hbm>> -> memref<1x8192xf32, #tpu.memory_space<hbm>>
        %dma_wait3A_247 = tpu.memref_squeeze %dma_wait3A_246 : memref<1x8192xf32, #tpu.memory_space<hbm>> -> memref<8192xf32, #tpu.memory_space<hbm>>
        tpu.wait_dma2 semaphore(%arg12 : memref<!tpu.dma_semaphore, #tpu.memory_space<semaphore_mem>>) src(%arg6 : memref<8192xf32, #tpu.memory_space<vmem>>) dst(%dma_wait3A_247 : memref<8192xf32, #tpu.memory_space<hbm>>)
      } else {
      }
      %dma_start3A_125 = arith.constant 0 : i32
      %dma_start3A_126 = tpu.memref_slice %arg3[%add3A_56, %dma_start3A_125] : memref<2176x8192xf32, #tpu.memory_space<hbm>> -> memref<1x8192xf32, #tpu.memory_space<hbm>>
      %dma_start3A_127 = tpu.memref_squeeze %dma_start3A_126 : memref<1x8192xf32, #tpu.memory_space<hbm>> -> memref<8192xf32, #tpu.memory_space<hbm>>
      %dma_start3A_128 = arith.constant 0 : i32
      %dma_start3A_129 = tpu.memref_slice %arg3[%add3A_56, %dma_start3A_128] : memref<2176x8192xf32, #tpu.memory_space<hbm>> -> memref<1x8192xf32, #tpu.memory_space<hbm>>
      %dma_start3A_130 = tpu.memref_squeeze %dma_start3A_129 : memref<1x8192xf32, #tpu.memory_space<hbm>> -> memref<8192xf32, #tpu.memory_space<hbm>>
      tpu.enqueue_dma source(%arg6 : memref<8192xf32, #tpu.memory_space<vmem>>) target(%dma_start3A_130 : memref<8192xf32, #tpu.memory_space<hbm>>) target_semaphore(%arg12 : memref<!tpu.dma_semaphore, #tpu.memory_space<semaphore_mem>>)
      %add3A_131 = arith.constant 2 : i32
      %add3A_132 = arith.addi %add3A_56, %add3A_131 : i32
      %min3A = arith.minsi %add3A_132, %sub3A_5 : i32
      %dma_start3A_133 = arith.constant 0 : i32
      %dma_start3A_134 = tpu.memref_slice %arg2[%min3A, %dma_start3A_133] : memref<2176x8192xf32, #tpu.memory_space<hbm>> -> memref<1x8192xf32, #tpu.memory_space<hbm>>
      %dma_start3A_135 = tpu.memref_squeeze %dma_start3A_134 : memref<1x8192xf32, #tpu.memory_space<hbm>> -> memref<8192xf32, #tpu.memory_space<hbm>>
      %dma_start3A_136 = arith.constant 0 : i32
      %dma_start3A_137 = tpu.memref_slice %arg2[%min3A, %dma_start3A_136] : memref<2176x8192xf32, #tpu.memory_space<hbm>> -> memref<1x8192xf32, #tpu.memory_space<hbm>>
      %dma_start3A_138 = tpu.memref_squeeze %dma_start3A_137 : memref<1x8192xf32, #tpu.memory_space<hbm>> -> memref<8192xf32, #tpu.memory_space<hbm>>
      tpu.enqueue_dma source(%dma_start3A_138 : memref<8192xf32, #tpu.memory_space<hbm>>) target(%arg4 : memref<8192xf32, #tpu.memory_space<vmem>>) target_semaphore(%arg10 : memref<!tpu.dma_semaphore, #tpu.memory_space<semaphore_mem>>)
      %add3A_139 = arith.constant 1 : i32
      %add3A_140 = arith.addi %add3A_56, %add3A_139 : i32
      %dma_wait3A_141 = arith.constant 0 : i32
      %dma_wait3A_142 = arith.constant 0 : i32
      %dma_wait3A_143 = tpu.memref_slice %arg2[%dma_wait3A_141, %dma_wait3A_142] : memref<2176x8192xf32, #tpu.memory_space<hbm>> -> memref<1x8192xf32, #tpu.memory_space<hbm>>
      %dma_wait3A_144 = tpu.memref_squeeze %dma_wait3A_143 : memref<1x8192xf32, #tpu.memory_space<hbm>> -> memref<8192xf32, #tpu.memory_space<hbm>>
      %dma_wait3A_145 = arith.constant 0 : i32
      %dma_wait3A_146 = tpu.memref_slice %arg2[%dma_wait3A_141, %dma_wait3A_145] : memref<2176x8192xf32, #tpu.memory_space<hbm>> -> memref<1x8192xf32, #tpu.memory_space<hbm>>
      %dma_wait3A_147 = tpu.memref_squeeze %dma_wait3A_146 : memref<1x8192xf32, #tpu.memory_space<hbm>> -> memref<8192xf32, #tpu.memory_space<hbm>>
      tpu.wait_dma2 semaphore(%arg11 : memref<!tpu.dma_semaphore, #tpu.memory_space<semaphore_mem>>) src(%dma_wait3A_147 : memref<8192xf32, #tpu.memory_space<hbm>>) dst(%arg5 : memref<8192xf32, #tpu.memory_space<vmem>>)
      %iota3A_148 = tpu.iota {dimensions = array<i32: 0>} : vector<16xi32>
      %broadcast_in_dim3A_149 = arith.constant 0 : i32
      %broadcast_in_dim3A_150 = vector.broadcast %broadcast_in_dim3A_149 : i32 to vector<16xi32>
      %broadcast_in_dim3A_151 = arith.constant 1 : i32
      %broadcast_in_dim3A_152 = vector.broadcast %broadcast_in_dim3A_151 : i32 to vector<16xi32>
      %broadcast_in_dim3A_153 = arith.constant -2147483648 : i32
      %broadcast_in_dim3A_154 = vector.broadcast %broadcast_in_dim3A_153 : i32 to vector<16xi32>
      %parallel_loop3A_155 = arith.constant 0 : i32
      %parallel_loop3A_156 = arith.constant 512 : i32
      %parallel_loop3A_157 = arith.constant 1 : i32
      %parallel_loop3A_158:2 = scf.for %parallel_loop3A_241 = %parallel_loop3A_155 to %parallel_loop3A_156 step %parallel_loop3A_157 iter_args(%parallel_loop3A_242 = %broadcast_in_dim3A_154, %parallel_loop3A_243 = %broadcast_in_dim3A_150) -> (vector<16xi32>, vector<16xi32>)  : i32 {
        %parallel_loop3A_244 = arith.constant 16 : i32
        %parallel_loop3A_245 = arith.muli %parallel_loop3A_241, %parallel_loop3A_244 : i32
        %parallel_loop3A_246 = arith.index_cast %parallel_loop3A_245 : i32 to index
        %parallel_loop3A_247 = tpu.vector_load %arg5[%parallel_loop3A_246] {strides = array<i32>} : memref<8192xf32, #tpu.memory_space<vmem>>, vector<16xf32>,
        %parallel_loop3A_248 = tpu.bitcast %parallel_loop3A_247 : vector<16xf32> -> vector<16xi32>
        %parallel_loop3A_249 = arith.constant 31 : i32
        %parallel_loop3A_250 = vector.broadcast %parallel_loop3A_249 : i32 to vector<16xi32>
        %parallel_loop3A_251 = arith.shrsi %parallel_loop3A_248, %parallel_loop3A_250 : vector<16xi32>
        %parallel_loop3A_252 = arith.constant 2147483647 : i32
        %parallel_loop3A_253 = vector.broadcast %parallel_loop3A_252 : i32 to vector<16xi32>
        %parallel_loop3A_254 = arith.andi %parallel_loop3A_251, %parallel_loop3A_253 : vector<16xi32>
        %parallel_loop3A_255 = arith.xori %parallel_loop3A_248, %parallel_loop3A_254 : vector<16xi32>
        %parallel_loop3A_256 = arith.constant -2147483648 : i32
        %parallel_loop3A_257 = vector.broadcast %parallel_loop3A_256 : i32 to vector<16xi32>
        %parallel_loop3A_258 = arith.xori %parallel_loop3A_255, %parallel_loop3A_257 : vector<16xi32>
        %parallel_loop3A_259 = arith.constant 24 : i32
        %parallel_loop3A_260 = vector.broadcast %parallel_loop3A_259 : i32 to vector<16xi32>
        %parallel_loop3A_261 = arith.shrui %parallel_loop3A_258, %parallel_loop3A_260 : vector<16xi32>
        %parallel_loop3A_262 = arith.constant 4 : i32
        %parallel_loop3A_263 = vector.broadcast %parallel_loop3A_262 : i32 to vector<16xi32>
        %parallel_loop3A_264 = arith.shli %parallel_loop3A_261, %parallel_loop3A_263 : vector<16xi32>
        %parallel_loop3A_265 = arith.ori %parallel_loop3A_264, %iota3A_148 : vector<16xi32>
        tpu.vector_store_idx %arg8[%parallel_loop3A_265], %broadcast_in_dim3A_152 {add = true} : memref<4096xi32, #tpu.memory_space<vmem>>[vector<16xi32>], vector<16xi32>,
        %parallel_loop3A_266 = arith.constant 192 : i32
        %parallel_loop3A_267 = vector.broadcast %parallel_loop3A_266 : i32 to vector<16xi32>
        %parallel_loop3A_268 = arith.cmpi eq, %parallel_loop3A_261, %parallel_loop3A_267 : vector<16xi32>
        %parallel_loop3A_269 = arith.constant 4 : i32
        %parallel_loop3A_270 = vector.broadcast %parallel_loop3A_269 : i32 to vector<16xi32>
        %parallel_loop3A_271 = arith.shli %parallel_loop3A_243, %parallel_loop3A_270 : vector<16xi32>
        %parallel_loop3A_272 = arith.ori %parallel_loop3A_271, %iota3A_148 : vector<16xi32>
        tpu.vector_store_idx %arg9[%parallel_loop3A_272], %parallel_loop3A_255 masked %parallel_loop3A_268 : memref<8208xi32, #tpu.memory_space<vmem>>[vector<16xi32>], vector<16xi32>, vector<16xi1>
        %parallel_loop3A_273 = arith.maxsi %parallel_loop3A_242, %parallel_loop3A_255 : vector<16xi32>
        %parallel_loop3A_274 = arith.extui %parallel_loop3A_268 : vector<16xi1> to vector<16xi32>
        %parallel_loop3A_275 = arith.addi %parallel_loop3A_243, %parallel_loop3A_274 : vector<16xi32>
        scf.yield %parallel_loop3A_273, %parallel_loop3A_275 : vector<16xi32>, vector<16xi32>
      } {sc.loop_unroll_factor = 8 : i64, sc.parallel_access}
      %reduce_max3A_159 = arith.constant true
      %reduce_max3A_160 = vector.broadcast %reduce_max3A_159 : i1 to vector<16xi1>
      %reduce_max3A_161 = arith.constant -2147483648 : i32
      %reduce_max3A_162 = vector.broadcast %reduce_max3A_161 : i32 to vector<16xi32>
      %reduce_max3A_163 = arith.xori %parallel_loop3A_158#0, %reduce_max3A_162 : vector<16xi32>
      %reduce_max3A_164 = tpu.scan <max>, %reduce_max3A_163 masked %reduce_max3A_160 : vector<16xi32>, vector<16xi1> -> vector<16xi32>
      %reduce_max3A_165 = arith.xori %reduce_max3A_164, %reduce_max3A_162 : vector<16xi32>
      %reduce_max3A_166 = vector.extract %reduce_max3A_165[15] : i32 from vector<16xi32>
      %xor3A_167 = arith.constant -2147483648 : i32
      %xor3A_168 = arith.xori %reduce_max3A_166, %xor3A_167 : i32
      %shift_right_logical3A_169 = arith.constant 24 : i32
      %shift_right_logical3A_170 = arith.shrui %xor3A_168, %shift_right_logical3A_169 : i32
      %mul3A_171 = arith.constant 16 : i32
      %mul3A_172 = arith.muli %shift_right_logical3A_170, %mul3A_171 : i32
      %get3A_173 = arith.index_cast %mul3A_172 : i32 to index
      %get3A_174 = tpu.vector_load %arg8[%get3A_173] {strides = array<i32>} : memref<4096xi32, #tpu.memory_space<vmem>>, vector<16xi32>,
      %reduce_sum3A_175 = arith.constant true
      %reduce_sum3A_176 = vector.broadcast %reduce_sum3A_175 : i1 to vector<16xi1>
      %reduce_sum3A_177 = tpu.scan <sum>, %get3A_174 masked %reduce_sum3A_176 : vector<16xi32>, vector<16xi1> -> vector<16xi32>
      %reduce_sum3A_178 = vector.extract %reduce_sum3A_177[15] : i32 from vector<16xi32>
      %while3A_179 = arith.constant 0 : i32
      %while3A_180:3 = scf.while (%while3A_241 = %shift_right_logical3A_170, %while3A_242 = %while3A_179, %while3A_243 = %reduce_sum3A_178) : (i32, i32, i32) -> (i32, i32, i32) {
        %add3A_244 = arith.addi %while3A_242, %while3A_243 : i32
        %lt3A_245 = arith.constant 64 : i32
        %lt3A_246 = arith.cmpi slt, %add3A_244, %lt3A_245 : i32
        scf.condition(%lt3A_246) %while3A_241, %while3A_242, %while3A_243 : i32, i32, i32
      } do {
      ^bb0(%while3A_241: i32, %while3A_242: i32, %while3A_243: i32):
        %sub3A_244 = arith.constant 1 : i32
        %sub3A_245 = arith.subi %while3A_241, %sub3A_244 : i32
        %add3A_246 = arith.addi %while3A_242, %while3A_243 : i32
        %sub3A_247 = arith.constant 1 : i32
        %sub3A_248 = arith.subi %while3A_241, %sub3A_247 : i32
        %mul3A_249 = arith.constant 16 : i32
        %mul3A_250 = arith.muli %sub3A_248, %mul3A_249 : i32
        %get3A_251 = arith.index_cast %mul3A_250 : i32 to index
        %get3A_252 = tpu.vector_load %arg8[%get3A_251] {strides = array<i32>} : memref<4096xi32, #tpu.memory_space<vmem>>, vector<16xi32>,
        %reduce_sum3A_253 = arith.constant true
        %reduce_sum3A_254 = vector.broadcast %reduce_sum3A_253 : i1 to vector<16xi1>
        %reduce_sum3A_255 = tpu.scan <sum>, %get3A_252 masked %reduce_sum3A_254 : vector<16xi32>, vector<16xi1> -> vector<16xi32>
        %reduce_sum3A_256 = vector.extract %reduce_sum3A_255[15] : i32 from vector<16xi32>
        scf.yield %sub3A_245, %add3A_246, %reduce_sum3A_256 : i32, i32, i32
      }
      %sub3A_181 = arith.constant 64 : i32
      %sub3A_182 = arith.subi %sub3A_181, %while3A_180#1 : i32
      %eq3A_183 = arith.constant 192 : i32
      %eq3A_184 = arith.cmpi eq, %while3A_180#0, %eq3A_183 : i32
      %convert_element_type3A_185 = arith.extui %eq3A_184 : i1 to i32
      %cond3A_186 = arith.constant 0 : i32
      %cond3A_187 = arith.cmpi ne, %convert_element_type3A_185, %cond3A_186 : i32
      %cond3A_188 = scf.if %cond3A_187 -> (vector<16xi32>) {
        scf.yield %parallel_loop3A_158#1 : vector<16xi32>
      } else {
        %parallel_loop3A_241 = arith.constant 0 : i32
        %parallel_loop3A_242 = arith.constant 512 : i32
        %parallel_loop3A_243 = arith.constant 1 : i32
        %parallel_loop3A_244 = scf.for %parallel_loop3A_245 = %parallel_loop3A_241 to %parallel_loop3A_242 step %parallel_loop3A_243 iter_args(%parallel_loop3A_246 = %broadcast_in_dim3A_150) -> (vector<16xi32>)  : i32 {
          %parallel_loop3A_247 = arith.constant 16 : i32
          %parallel_loop3A_248 = arith.muli %parallel_loop3A_245, %parallel_loop3A_247 : i32
          %parallel_loop3A_249 = arith.index_cast %parallel_loop3A_248 : i32 to index
          %parallel_loop3A_250 = tpu.vector_load %arg5[%parallel_loop3A_249] {strides = array<i32>} : memref<8192xf32, #tpu.memory_space<vmem>>, vector<16xf32>,
          %parallel_loop3A_251 = tpu.bitcast %parallel_loop3A_250 : vector<16xf32> -> vector<16xi32>
          %parallel_loop3A_252 = arith.constant 31 : i32
          %parallel_loop3A_253 = vector.broadcast %parallel_loop3A_252 : i32 to vector<16xi32>
          %parallel_loop3A_254 = arith.shrsi %parallel_loop3A_251, %parallel_loop3A_253 : vector<16xi32>
          %parallel_loop3A_255 = arith.constant 2147483647 : i32
          %parallel_loop3A_256 = vector.broadcast %parallel_loop3A_255 : i32 to vector<16xi32>
          %parallel_loop3A_257 = arith.andi %parallel_loop3A_254, %parallel_loop3A_256 : vector<16xi32>
          %parallel_loop3A_258 = arith.xori %parallel_loop3A_251, %parallel_loop3A_257 : vector<16xi32>
          %parallel_loop3A_259 = arith.constant -2147483648 : i32
          %parallel_loop3A_260 = vector.broadcast %parallel_loop3A_259 : i32 to vector<16xi32>
          %parallel_loop3A_261 = arith.xori %parallel_loop3A_258, %parallel_loop3A_260 : vector<16xi32>
          %parallel_loop3A_262 = arith.constant 24 : i32
          %parallel_loop3A_263 = vector.broadcast %parallel_loop3A_262 : i32 to vector<16xi32>
          %parallel_loop3A_264 = arith.shrui %parallel_loop3A_261, %parallel_loop3A_263 : vector<16xi32>
          %parallel_loop3A_265 = vector.broadcast %while3A_180#0 : i32 to vector<16xi32>
          %parallel_loop3A_266 = arith.cmpi eq, %parallel_loop3A_264, %parallel_loop3A_265 : vector<16xi32>
          %parallel_loop3A_267 = arith.constant 4 : i32
          %parallel_loop3A_268 = vector.broadcast %parallel_loop3A_267 : i32 to vector<16xi32>
          %parallel_loop3A_269 = arith.shli %parallel_loop3A_246, %parallel_loop3A_268 : vector<16xi32>
          %parallel_loop3A_270 = arith.ori %parallel_loop3A_269, %iota3A_148 : vector<16xi32>
          tpu.vector_store_idx %arg9[%parallel_loop3A_270], %parallel_loop3A_258 masked %parallel_loop3A_266 : memref<8208xi32, #tpu.memory_space<vmem>>[vector<16xi32>], vector<16xi32>, vector<16xi1>
          %parallel_loop3A_271 = arith.extui %parallel_loop3A_266 : vector<16xi1> to vector<16xi32>
          %parallel_loop3A_272 = arith.addi %parallel_loop3A_246, %parallel_loop3A_271 : vector<16xi32>
          scf.yield %parallel_loop3A_272 : vector<16xi32>
        } {sc.loop_unroll_factor = 8 : i64, sc.parallel_access}
        scf.yield %parallel_loop3A_244 : vector<16xi32>
      }
      %reduce_max3A_189 = arith.constant true
      %reduce_max3A_190 = vector.broadcast %reduce_max3A_189 : i1 to vector<16xi1>
      %reduce_max3A_191 = arith.constant -2147483648 : i32
      %reduce_max3A_192 = vector.broadcast %reduce_max3A_191 : i32 to vector<16xi32>
      %reduce_max3A_193 = arith.xori %cond3A_188, %reduce_max3A_192 : vector<16xi32>
      %reduce_max3A_194 = tpu.scan <max>, %reduce_max3A_193 masked %reduce_max3A_190 : vector<16xi32>, vector<16xi1> -> vector<16xi32>
      %reduce_max3A_195 = arith.xori %reduce_max3A_194, %reduce_max3A_192 : vector<16xi32>
      %reduce_max3A_196 = vector.extract %reduce_max3A_195[15] : i32 from vector<16xi32>
      %shift_left3A_197 = arith.constant 24 : i32
      %shift_left3A_198 = arith.shli %while3A_180#0, %shift_left3A_197 : i32
      %lt3A_199 = arith.constant 0 : i32
      %lt3A_200 = arith.cmpi slt, %sub3A_182, %lt3A_199 : i32
      %while3A_201 = arith.constant 0 : i32
      %while3A_202:3 = scf.while (%while3A_241 = %while3A_201, %while3A_242 = %shift_left3A_198, %while3A_243 = %lt3A_200) : (i32, i32, i1) -> (i32, i32, i1) {
        %lt3A_244 = arith.constant 24 : i32
        %lt3A_245 = arith.cmpi slt, %while3A_241, %lt3A_244 : i32
        %not3A = arith.constant true
        %not3A_246 = arith.xori %while3A_243, %not3A : i1
        %and3A = arith.andi %lt3A_245, %not3A_246 : i1
        scf.condition(%and3A) %while3A_241, %while3A_242, %while3A_243 : i32, i32, i1
      } do {
      ^bb0(%while3A_241: i32, %while3A_242: i32, %while3A_243: i1):
        %sub3A_244 = arith.constant 23 : i32
        %sub3A_245 = arith.subi %sub3A_244, %while3A_241 : i32
        %shift_left3A_246 = arith.constant 1 : i32
        %shift_left3A_247 = arith.shli %shift_left3A_246, %sub3A_245 : i32
        %or3A = arith.ori %while3A_242, %shift_left3A_247 : i32
        %xor3A_248 = arith.constant -2147483648 : i32
        %xor3A_249 = arith.xori %or3A, %xor3A_248 : i32
        %parallel_loop3A_250 = arith.constant 0 : i32
        %parallel_loop3A_251 = arith.constant 1 : i32
        %parallel_loop3A_252 = scf.for %parallel_loop3A_262 = %parallel_loop3A_250 to %reduce_max3A_196 step %parallel_loop3A_251 iter_args(%parallel_loop3A_263 = %broadcast_in_dim3A_150) -> (vector<16xi32>)  : i32 {
          %parallel_loop3A_264 = vector.broadcast %parallel_loop3A_262 : i32 to vector<16xi32>
          %parallel_loop3A_265 = arith.cmpi sgt, %cond3A_188, %parallel_loop3A_264 : vector<16xi32>
          %parallel_loop3A_266 = arith.constant 16 : i32
          %parallel_loop3A_267 = arith.muli %parallel_loop3A_262, %parallel_loop3A_266 : i32
          %parallel_loop3A_268 = arith.index_cast %parallel_loop3A_267 : i32 to index
          %parallel_loop3A_269 = tpu.vector_load %arg9[%parallel_loop3A_268] {strides = array<i32>} : memref<8208xi32, #tpu.memory_space<vmem>>, vector<16xi32>,
          %parallel_loop3A_270 = vector.broadcast %xor3A_249 : i32 to vector<16xi32>
          %parallel_loop3A_271 = arith.cmpi sge, %parallel_loop3A_269, %parallel_loop3A_270 : vector<16xi32>
          %parallel_loop3A_272 = arith.andi %parallel_loop3A_271, %parallel_loop3A_265 : vector<16xi1>
          %parallel_loop3A_273 = arith.extui %parallel_loop3A_272 : vector<16xi1> to vector<16xi32>
          %parallel_loop3A_274 = arith.addi %parallel_loop3A_263, %parallel_loop3A_273 : vector<16xi32>
          scf.yield %parallel_loop3A_274 : vector<16xi32>
        } {sc.loop_unroll_factor = 1 : i64, sc.parallel_access}
        %reduce_sum3A_253 = arith.constant true
        %reduce_sum3A_254 = vector.broadcast %reduce_sum3A_253 : i1 to vector<16xi1>
        %reduce_sum3A_255 = tpu.scan <sum>, %parallel_loop3A_252 masked %reduce_sum3A_254 : vector<16xi32>, vector<16xi1> -> vector<16xi32>
        %reduce_sum3A_256 = vector.extract %reduce_sum3A_255[15] : i32 from vector<16xi32>
        %add3A_257 = arith.constant 1 : i32
        %add3A_258 = arith.addi %while3A_241, %add3A_257 : i32
        %ge3A_259 = arith.cmpi sge, %reduce_sum3A_256, %sub3A_182 : i32
        %select_n3A_260 = arith.select %ge3A_259, %or3A, %while3A_242 : i32
        %eq3A_261 = arith.cmpi eq, %reduce_sum3A_256, %sub3A_182 : i32
        scf.yield %add3A_258, %select_n3A_260, %eq3A_261 : i32, i32, i1
      }
      %xor3A_203 = arith.constant -2147483648 : i32
      %xor3A_204 = arith.xori %while3A_202#1, %xor3A_203 : i32
      %ge3A_205 = arith.constant 0 : i32
      %ge3A_206 = arith.cmpi sge, %xor3A_204, %ge3A_205 : i32
      %xor3A_207 = arith.constant 2147483647 : i32
      %xor3A_208 = arith.xori %xor3A_204, %xor3A_207 : i32
      %select_n3A_209 = arith.select %ge3A_206, %xor3A_204, %xor3A_208 : i32
      %add3A_210 = vector.broadcast %select_n3A_209 : i32 to vector<16xi32>
      %add3A_211 = arith.addi %broadcast_in_dim3A_150, %add3A_210 : vector<16xi32>
      %bitcast_convert_type3A_212 = tpu.bitcast %add3A_211 : vector<16xi32> -> vector<16xf32>
      %broadcast_in_dim3A_213 = arith.constant 0 : i32
      %broadcast_in_dim3A_214 = vector.broadcast %broadcast_in_dim3A_213 : i32 to vector<16xi32>
      %parallel_loop3A_215 = arith.constant 0 : i32
      %parallel_loop3A_216 = arith.constant 256 : i32
      %parallel_loop3A_217 = arith.constant 1 : i32
      scf.for %parallel_loop3A_241 = %parallel_loop3A_215 to %parallel_loop3A_216 step %parallel_loop3A_217  : i32 {
        %parallel_loop3A_242 = arith.constant 16 : i32
        %parallel_loop3A_243 = arith.muli %parallel_loop3A_241, %parallel_loop3A_242 : i32
        %parallel_loop3A_244 = arith.index_cast %parallel_loop3A_243 : i32 to index
        %parallel_loop3A_245 = tpu.vector_load %arg5[%parallel_loop3A_244] {strides = array<i32>} : memref<8192xf32, #tpu.memory_space<vmem>>, vector<16xf32>,
        %parallel_loop3A_246 = arith.cmpf oge, %parallel_loop3A_245, %bitcast_convert_type3A_212 : vector<16xf32>
        %parallel_loop3A_247 = arith.constant 0.000000e+00 : f32
        %parallel_loop3A_248 = vector.broadcast %parallel_loop3A_247 : f32 to vector<16xf32>
        %parallel_loop3A_249 = arith.select %parallel_loop3A_246, %parallel_loop3A_245, %parallel_loop3A_248 : vector<16xi1>, vector<16xf32>
        %parallel_loop3A_250 = arith.constant 16 : i32
        %parallel_loop3A_251 = arith.muli %parallel_loop3A_241, %parallel_loop3A_250 : i32
        %parallel_loop3A_252 = arith.index_cast %parallel_loop3A_251 : i32 to index
        %parallel_loop3A_253 = tpu.vector_load %arg7[%parallel_loop3A_252] {strides = array<i32>} : memref<8192xf32, #tpu.memory_space<vmem>>, vector<16xf32>,
        tpu.vector_store %arg7[%parallel_loop3A_252], %parallel_loop3A_249 {strides = array<i32>} : memref<8192xf32, #tpu.memory_space<vmem>>, vector<16xf32>,
        %parallel_loop3A_254 = arith.constant 16 : i32
        %parallel_loop3A_255 = arith.muli %parallel_loop3A_241, %parallel_loop3A_254 : i32
        %parallel_loop3A_256 = arith.index_cast %parallel_loop3A_255 : i32 to index
        %parallel_loop3A_257 = tpu.vector_load %arg8[%parallel_loop3A_256] {strides = array<i32>} : memref<4096xi32, #tpu.memory_space<vmem>>, vector<16xi32>,
        tpu.vector_store %arg8[%parallel_loop3A_256], %broadcast_in_dim3A_214 {strides = array<i32>} : memref<4096xi32, #tpu.memory_space<vmem>>, vector<16xi32>,
      } {sc.loop_unroll_factor = 8 : i64, sc.parallel_access}
      %parallel_loop3A_218 = arith.constant 256 : i32
      %parallel_loop3A_219 = arith.constant 512 : i32
      %parallel_loop3A_220 = arith.constant 1 : i32
      scf.for %parallel_loop3A_241 = %parallel_loop3A_218 to %parallel_loop3A_219 step %parallel_loop3A_220  : i32 {
        %parallel_loop3A_242 = arith.constant 16 : i32
        %parallel_loop3A_243 = arith.muli %parallel_loop3A_241, %parallel_loop3A_242 : i32
        %parallel_loop3A_244 = arith.index_cast %parallel_loop3A_243 : i32 to index
        %parallel_loop3A_245 = tpu.vector_load %arg5[%parallel_loop3A_244] {strides = array<i32>} : memref<8192xf32, #tpu.memory_space<vmem>>, vector<16xf32>,
        %parallel_loop3A_246 = arith.cmpf oge, %parallel_loop3A_245, %bitcast_convert_type3A_212 : vector<16xf32>
        %parallel_loop3A_247 = arith.constant 0.000000e+00 : f32
        %parallel_loop3A_248 = vector.broadcast %parallel_loop3A_247 : f32 to vector<16xf32>
        %parallel_loop3A_249 = arith.select %parallel_loop3A_246, %parallel_loop3A_245, %parallel_loop3A_248 : vector<16xi1>, vector<16xf32>
        %parallel_loop3A_250 = arith.constant 16 : i32
        %parallel_loop3A_251 = arith.muli %parallel_loop3A_241, %parallel_loop3A_250 : i32
        %parallel_loop3A_252 = arith.index_cast %parallel_loop3A_251 : i32 to index
        %parallel_loop3A_253 = tpu.vector_load %arg7[%parallel_loop3A_252] {strides = array<i32>} : memref<8192xf32, #tpu.memory_space<vmem>>, vector<16xf32>,
        tpu.vector_store %arg7[%parallel_loop3A_252], %parallel_loop3A_249 {strides = array<i32>} : memref<8192xf32, #tpu.memory_space<vmem>>, vector<16xf32>,
      } {sc.loop_unroll_factor = 8 : i64, sc.parallel_access}
      %gt3A_221 = arith.constant 0 : i32
      %gt3A_222 = arith.cmpi sgt, %scan3A_53, %gt3A_221 : i32
      %convert_element_type3A_223 = arith.extui %gt3A_222 : i1 to i32
      %cond3A_224 = arith.constant 0 : i32
      %cond3A_225 = arith.cmpi ne, %convert_element_type3A_223, %cond3A_224 : i32
      scf.if %cond3A_225 {
        %dma_wait3A_241 = arith.constant 0 : i32
        %dma_wait3A_242 = arith.constant 0 : i32
        %dma_wait3A_243 = tpu.memref_slice %arg3[%dma_wait3A_241, %dma_wait3A_242] : memref<2176x8192xf32, #tpu.memory_space<hbm>> -> memref<1x8192xf32, #tpu.memory_space<hbm>>
        %dma_wait3A_244 = tpu.memref_squeeze %dma_wait3A_243 : memref<1x8192xf32, #tpu.memory_space<hbm>> -> memref<8192xf32, #tpu.memory_space<hbm>>
        %dma_wait3A_245 = arith.constant 0 : i32
        %dma_wait3A_246 = tpu.memref_slice %arg3[%dma_wait3A_241, %dma_wait3A_245] : memref<2176x8192xf32, #tpu.memory_space<hbm>> -> memref<1x8192xf32, #tpu.memory_space<hbm>>
        %dma_wait3A_247 = tpu.memref_squeeze %dma_wait3A_246 : memref<1x8192xf32, #tpu.memory_space<hbm>> -> memref<8192xf32, #tpu.memory_space<hbm>>
        tpu.wait_dma2 semaphore(%arg13 : memref<!tpu.dma_semaphore, #tpu.memory_space<semaphore_mem>>) src(%arg7 : memref<8192xf32, #tpu.memory_space<vmem>>) dst(%dma_wait3A_247 : memref<8192xf32, #tpu.memory_space<hbm>>)
      } else {
      }
      %dma_start3A_226 = arith.constant 0 : i32
      %dma_start3A_227 = tpu.memref_slice %arg3[%add3A_140, %dma_start3A_226] : memref<2176x8192xf32, #tpu.memory_space<hbm>> -> memref<1x8192xf32, #tpu.memory_space<hbm>>
      %dma_start3A_228 = tpu.memref_squeeze %dma_start3A_227 : memref<1x8192xf32, #tpu.memory_space<hbm>> -> memref<8192xf32, #tpu.memory_space<hbm>>
      %dma_start3A_229 = arith.constant 0 : i32
      %dma_start3A_230 = tpu.memref_slice %arg3[%add3A_140, %dma_start3A_229] : memref<2176x8192xf32, #tpu.memory_space<hbm>> -> memref<1x8192xf32, #tpu.memory_space<hbm>>
      %dma_start3A_231 = tpu.memref_squeeze %dma_start3A_230 : memref<1x8192xf32, #tpu.memory_space<hbm>> -> memref<8192xf32, #tpu.memory_space<hbm>>
      tpu.enqueue_dma source(%arg7 : memref<8192xf32, #tpu.memory_space<vmem>>) target(%dma_start3A_231 : memref<8192xf32, #tpu.memory_space<hbm>>) target_semaphore(%arg13 : memref<!tpu.dma_semaphore, #tpu.memory_space<semaphore_mem>>)
      %add3A_232 = arith.constant 2 : i32
      %add3A_233 = arith.addi %add3A_140, %add3A_232 : i32
      %min3A_234 = arith.minsi %add3A_233, %sub3A_5 : i32
      %dma_start3A_235 = arith.constant 0 : i32
      %dma_start3A_236 = tpu.memref_slice %arg2[%min3A_234, %dma_start3A_235] : memref<2176x8192xf32, #tpu.memory_space<hbm>> -> memref<1x8192xf32, #tpu.memory_space<hbm>>
      %dma_start3A_237 = tpu.memref_squeeze %dma_start3A_236 : memref<1x8192xf32, #tpu.memory_space<hbm>> -> memref<8192xf32, #tpu.memory_space<hbm>>
      %dma_start3A_238 = arith.constant 0 : i32
      %dma_start3A_239 = tpu.memref_slice %arg2[%min3A_234, %dma_start3A_238] : memref<2176x8192xf32, #tpu.memory_space<hbm>> -> memref<1x8192xf32, #tpu.memory_space<hbm>>
      %dma_start3A_240 = tpu.memref_squeeze %dma_start3A_239 : memref<1x8192xf32, #tpu.memory_space<hbm>> -> memref<8192xf32, #tpu.memory_space<hbm>>
      tpu.enqueue_dma source(%dma_start3A_240 : memref<8192xf32, #tpu.memory_space<hbm>>) target(%arg5 : memref<8192xf32, #tpu.memory_space<vmem>>) target_semaphore(%arg11 : memref<!tpu.dma_semaphore, #tpu.memory_space<semaphore_mem>>)
    }
    %scan3A_25 = arith.constant 34 : i32
    %dma_wait3A = arith.constant 0 : i32
    %dma_wait3A_26 = arith.constant 0 : i32
    %dma_wait3A_27 = tpu.memref_slice %arg3[%dma_wait3A, %dma_wait3A_26] : memref<2176x8192xf32, #tpu.memory_space<hbm>> -> memref<1x8192xf32, #tpu.memory_space<hbm>>
    %dma_wait3A_28 = tpu.memref_squeeze %dma_wait3A_27 : memref<1x8192xf32, #tpu.memory_space<hbm>> -> memref<8192xf32, #tpu.memory_space<hbm>>
    %dma_wait3A_29 = arith.constant 0 : i32
    %dma_wait3A_30 = tpu.memref_slice %arg3[%dma_wait3A, %dma_wait3A_29] : memref<2176x8192xf32, #tpu.memory_space<hbm>> -> memref<1x8192xf32, #tpu.memory_space<hbm>>
    %dma_wait3A_31 = tpu.memref_squeeze %dma_wait3A_30 : memref<1x8192xf32, #tpu.memory_space<hbm>> -> memref<8192xf32, #tpu.memory_space<hbm>>
    tpu.wait_dma2 semaphore(%arg12 : memref<!tpu.dma_semaphore, #tpu.memory_space<semaphore_mem>>) src(%arg6 : memref<8192xf32, #tpu.memory_space<vmem>>) dst(%dma_wait3A_31 : memref<8192xf32, #tpu.memory_space<hbm>>)
    %dma_wait3A_32 = arith.constant 0 : i32
    %dma_wait3A_33 = arith.constant 0 : i32
    %dma_wait3A_34 = tpu.memref_slice %arg3[%dma_wait3A_32, %dma_wait3A_33] : memref<2176x8192xf32, #tpu.memory_space<hbm>> -> memref<1x8192xf32, #tpu.memory_space<hbm>>
    %dma_wait3A_35 = tpu.memref_squeeze %dma_wait3A_34 : memref<1x8192xf32, #tpu.memory_space<hbm>> -> memref<8192xf32, #tpu.memory_space<hbm>>
    %dma_wait3A_36 = arith.constant 0 : i32
    %dma_wait3A_37 = tpu.memref_slice %arg3[%dma_wait3A_32, %dma_wait3A_36] : memref<2176x8192xf32, #tpu.memory_space<hbm>> -> memref<1x8192xf32, #tpu.memory_space<hbm>>
    %dma_wait3A_38 = tpu.memref_squeeze %dma_wait3A_37 : memref<1x8192xf32, #tpu.memory_space<hbm>> -> memref<8192xf32, #tpu.memory_space<hbm>>
    tpu.wait_dma2 semaphore(%arg13 : memref<!tpu.dma_semaphore, #tpu.memory_space<semaphore_mem>>) src(%arg7 : memref<8192xf32, #tpu.memory_space<vmem>>) dst(%dma_wait3A_38 : memref<8192xf32, #tpu.memory_space<hbm>>)
    %dma_wait3A_39 = arith.constant 0 : i32
    %dma_wait3A_40 = arith.constant 0 : i32
    %dma_wait3A_41 = tpu.memref_slice %arg2[%dma_wait3A_39, %dma_wait3A_40] : memref<2176x8192xf32, #tpu.memory_space<hbm>> -> memref<1x8192xf32, #tpu.memory_space<hbm>>
    %dma_wait3A_42 = tpu.memref_squeeze %dma_wait3A_41 : memref<1x8192xf32, #tpu.memory_space<hbm>> -> memref<8192xf32, #tpu.memory_space<hbm>>
    %dma_wait3A_43 = arith.constant 0 : i32
    %dma_wait3A_44 = tpu.memref_slice %arg2[%dma_wait3A_39, %dma_wait3A_43] : memref<2176x8192xf32, #tpu.memory_space<hbm>> -> memref<1x8192xf32, #tpu.memory_space<hbm>>
    %dma_wait3A_45 = tpu.memref_squeeze %dma_wait3A_44 : memref<1x8192xf32, #tpu.memory_space<hbm>> -> memref<8192xf32, #tpu.memory_space<hbm>>
    tpu.wait_dma2 semaphore(%arg10 : memref<!tpu.dma_semaphore, #tpu.memory_space<semaphore_mem>>) src(%dma_wait3A_45 : memref<8192xf32, #tpu.memory_space<hbm>>) dst(%arg4 : memref<8192xf32, #tpu.memory_space<vmem>>)
    %dma_wait3A_46 = arith.constant 0 : i32
    %dma_wait3A_47 = arith.constant 0 : i32
    %dma_wait3A_48 = tpu.memref_slice %arg2[%dma_wait3A_46, %dma_wait3A_47] : memref<2176x8192xf32, #tpu.memory_space<hbm>> -> memref<1x8192xf32, #tpu.memory_space<hbm>>
    %dma_wait3A_49 = tpu.memref_squeeze %dma_wait3A_48 : memref<1x8192xf32, #tpu.memory_space<hbm>> -> memref<8192xf32, #tpu.memory_space<hbm>>
    %dma_wait3A_50 = arith.constant 0 : i32
    %dma_wait3A_51 = tpu.memref_slice %arg2[%dma_wait3A_46, %dma_wait3A_50] : memref<2176x8192xf32, #tpu.memory_space<hbm>> -> memref<1x8192xf32, #tpu.memory_space<hbm>>
    %dma_wait3A_52 = tpu.memref_squeeze %dma_wait3A_51 : memref<1x8192xf32, #tpu.memory_space<hbm>> -> memref<8192xf32, #tpu.memory_space<hbm>>
    tpu.wait_dma2 semaphore(%arg11 : memref<!tpu.dma_semaphore, #tpu.memory_space<semaphore_mem>>) src(%dma_wait3A_52 : memref<8192xf32, #tpu.memory_space<hbm>>) dst(%arg5 : memref<8192xf32, #tpu.memory_space<vmem>>)
    return
  }
}

module attributes {stable_mosaic.version = 14 : i64} {
  func.func @_tc_block(%arg0: i32, %arg1: memref<128x8192xf32, #tpu.memory_space<vmem>>, %arg2: memref<128x8192xf32, #tpu.memory_space<vmem>>) attributes {dimension_semantics = [#tpu.dimension_semantics<arbitrary>], iteration_bounds = array<i64: 15>, scalar_prefetch = 0 : i64, scratch_operands = 0 : i64, tpu.core_type = #tpu.core_type<tc>, window_params = [{transform_indices = @transform_0, window_bounds = array<i64: 128, 8192>}, {transform_indices = @transform_1, window_bounds = array<i64: 128, 8192>}]} {
    %get3A = arith.constant 0 : index
    %get3A_0 = arith.constant 0 : index
    %get3A_1 = vector.load %arg1[%get3A, %get3A_0] : memref<128x8192xf32, #tpu.memory_space<vmem>>, vector<128x8192xf32>
    %bitcast_convert_type3A = tpu.bitcast %get3A_1 : vector<128x8192xf32> -> vector<128x8192xi32>
    %shift_right_arithmetic3A = arith.constant 31 : i32
    %shift_right_arithmetic3A_2 = vector.broadcast %shift_right_arithmetic3A : i32 to vector<128x8192xi32>
    %shift_right_arithmetic3A_3 = arith.shrsi %bitcast_convert_type3A, %shift_right_arithmetic3A_2 : vector<128x8192xi32>
    %and3A = arith.constant 2147483647 : i32
    %and3A_4 = vector.broadcast %and3A : i32 to vector<128x8192xi32>
    %and3A_5 = arith.andi %shift_right_arithmetic3A_3, %and3A_4 : vector<128x8192xi32>
    %xor3A = arith.xori %bitcast_convert_type3A, %and3A_5 : vector<128x8192xi32>
    %broadcast_in_dim3A = arith.constant 0 : i32
    %broadcast_in_dim3A_6 = vector.broadcast %broadcast_in_dim3A : i32 to vector<128x1xi32>
    %scan3A = arith.constant 0 : i32
    %sub3A = arith.constant 31 : i32
    %sub3A_7 = arith.subi %sub3A, %scan3A : i32
    %shift_left3A = arith.constant 1 : i32
    %shift_left3A_8 = arith.shli %shift_left3A, %sub3A_7 : i32
    %or3A = vector.broadcast %shift_left3A_8 : i32 to vector<128x1xi32>
    %or3A_9 = arith.ori %broadcast_in_dim3A_6, %or3A : vector<128x1xi32>
    %xor3A_10 = arith.constant -2147483648 : i32
    %xor3A_11 = vector.broadcast %xor3A_10 : i32 to vector<128x1xi32>
    %xor3A_12 = arith.xori %or3A_9, %xor3A_11 : vector<128x1xi32>
    %ge3A = vector.broadcast %xor3A_12 : vector<128x1xi32> to vector<128x8192xi32>
    %ge3A_13 = arith.cmpi sge, %xor3A, %ge3A : vector<128x8192xi32>
    %convert_element_type3A = arith.extui %ge3A_13 : vector<128x8192xi1> to vector<128x8192xi32>
    %convert_element_type3A_14 = arith.sitofp %convert_element_type3A : vector<128x8192xi32> to vector<128x8192xf32>
    %reduce_sum3A = arith.constant dense<0.000000e+00> : vector<128xf32>
    %reduce_sum3A_15 = vector.multi_reduction <add>, %convert_element_type3A_14, %reduce_sum3A [1] : vector<128x8192xf32> to vector<128xf32>
    %broadcast_in_dim3A_16 = vector.shape_cast %reduce_sum3A_15 : vector<128xf32> to vector<128x1xf32>
    %ge3A_17 = arith.constant 6.400000e+01 : f32
    %ge3A_18 = vector.broadcast %ge3A_17 : f32 to vector<128x1xf32>
    %ge3A_19 = arith.cmpf oge, %broadcast_in_dim3A_16, %ge3A_18 : vector<128x1xf32>
    %select_n3A = arith.select %ge3A_19, %or3A_9, %broadcast_in_dim3A_6 : vector<128x1xi1>, vector<128x1xi32>
    %scan3A_20 = arith.constant 1 : i32
    %sub3A_21 = arith.constant 31 : i32
    %sub3A_22 = arith.subi %sub3A_21, %scan3A_20 : i32
    %shift_left3A_23 = arith.constant 1 : i32
    %shift_left3A_24 = arith.shli %shift_left3A_23, %sub3A_22 : i32
    %or3A_25 = vector.broadcast %shift_left3A_24 : i32 to vector<128x1xi32>
    %or3A_26 = arith.ori %select_n3A, %or3A_25 : vector<128x1xi32>
    %xor3A_27 = arith.constant -2147483648 : i32
    %xor3A_28 = vector.broadcast %xor3A_27 : i32 to vector<128x1xi32>
    %xor3A_29 = arith.xori %or3A_26, %xor3A_28 : vector<128x1xi32>
    %ge3A_30 = vector.broadcast %xor3A_29 : vector<128x1xi32> to vector<128x8192xi32>
    %ge3A_31 = arith.cmpi sge, %xor3A, %ge3A_30 : vector<128x8192xi32>
    %convert_element_type3A_32 = arith.extui %ge3A_31 : vector<128x8192xi1> to vector<128x8192xi32>
    %convert_element_type3A_33 = arith.sitofp %convert_element_type3A_32 : vector<128x8192xi32> to vector<128x8192xf32>
    %reduce_sum3A_34 = arith.constant dense<0.000000e+00> : vector<128xf32>
    %reduce_sum3A_35 = vector.multi_reduction <add>, %convert_element_type3A_33, %reduce_sum3A_34 [1] : vector<128x8192xf32> to vector<128xf32>
    %broadcast_in_dim3A_36 = vector.shape_cast %reduce_sum3A_35 : vector<128xf32> to vector<128x1xf32>
    %ge3A_37 = arith.constant 6.400000e+01 : f32
    %ge3A_38 = vector.broadcast %ge3A_37 : f32 to vector<128x1xf32>
    %ge3A_39 = arith.cmpf oge, %broadcast_in_dim3A_36, %ge3A_38 : vector<128x1xf32>
    %select_n3A_40 = arith.select %ge3A_39, %or3A_26, %select_n3A : vector<128x1xi1>, vector<128x1xi32>
    %scan3A_41 = arith.constant 2 : i32
    %sub3A_42 = arith.constant 31 : i32
    %sub3A_43 = arith.subi %sub3A_42, %scan3A_41 : i32
    %shift_left3A_44 = arith.constant 1 : i32
    %shift_left3A_45 = arith.shli %shift_left3A_44, %sub3A_43 : i32
    %or3A_46 = vector.broadcast %shift_left3A_45 : i32 to vector<128x1xi32>
    %or3A_47 = arith.ori %select_n3A_40, %or3A_46 : vector<128x1xi32>
    %xor3A_48 = arith.constant -2147483648 : i32
    %xor3A_49 = vector.broadcast %xor3A_48 : i32 to vector<128x1xi32>
    %xor3A_50 = arith.xori %or3A_47, %xor3A_49 : vector<128x1xi32>
    %ge3A_51 = vector.broadcast %xor3A_50 : vector<128x1xi32> to vector<128x8192xi32>
    %ge3A_52 = arith.cmpi sge, %xor3A, %ge3A_51 : vector<128x8192xi32>
    %convert_element_type3A_53 = arith.extui %ge3A_52 : vector<128x8192xi1> to vector<128x8192xi32>
    %convert_element_type3A_54 = arith.sitofp %convert_element_type3A_53 : vector<128x8192xi32> to vector<128x8192xf32>
    %reduce_sum3A_55 = arith.constant dense<0.000000e+00> : vector<128xf32>
    %reduce_sum3A_56 = vector.multi_reduction <add>, %convert_element_type3A_54, %reduce_sum3A_55 [1] : vector<128x8192xf32> to vector<128xf32>
    %broadcast_in_dim3A_57 = vector.shape_cast %reduce_sum3A_56 : vector<128xf32> to vector<128x1xf32>
    %ge3A_58 = arith.constant 6.400000e+01 : f32
    %ge3A_59 = vector.broadcast %ge3A_58 : f32 to vector<128x1xf32>
    %ge3A_60 = arith.cmpf oge, %broadcast_in_dim3A_57, %ge3A_59 : vector<128x1xf32>
    %select_n3A_61 = arith.select %ge3A_60, %or3A_47, %select_n3A_40 : vector<128x1xi1>, vector<128x1xi32>
    %scan3A_62 = arith.constant 3 : i32
    %sub3A_63 = arith.constant 31 : i32
    %sub3A_64 = arith.subi %sub3A_63, %scan3A_62 : i32
    %shift_left3A_65 = arith.constant 1 : i32
    %shift_left3A_66 = arith.shli %shift_left3A_65, %sub3A_64 : i32
    %or3A_67 = vector.broadcast %shift_left3A_66 : i32 to vector<128x1xi32>
    %or3A_68 = arith.ori %select_n3A_61, %or3A_67 : vector<128x1xi32>
    %xor3A_69 = arith.constant -2147483648 : i32
    %xor3A_70 = vector.broadcast %xor3A_69 : i32 to vector<128x1xi32>
    %xor3A_71 = arith.xori %or3A_68, %xor3A_70 : vector<128x1xi32>
    %ge3A_72 = vector.broadcast %xor3A_71 : vector<128x1xi32> to vector<128x8192xi32>
    %ge3A_73 = arith.cmpi sge, %xor3A, %ge3A_72 : vector<128x8192xi32>
    %convert_element_type3A_74 = arith.extui %ge3A_73 : vector<128x8192xi1> to vector<128x8192xi32>
    %convert_element_type3A_75 = arith.sitofp %convert_element_type3A_74 : vector<128x8192xi32> to vector<128x8192xf32>
    %reduce_sum3A_76 = arith.constant dense<0.000000e+00> : vector<128xf32>
    %reduce_sum3A_77 = vector.multi_reduction <add>, %convert_element_type3A_75, %reduce_sum3A_76 [1] : vector<128x8192xf32> to vector<128xf32>
    %broadcast_in_dim3A_78 = vector.shape_cast %reduce_sum3A_77 : vector<128xf32> to vector<128x1xf32>
    %ge3A_79 = arith.constant 6.400000e+01 : f32
    %ge3A_80 = vector.broadcast %ge3A_79 : f32 to vector<128x1xf32>
    %ge3A_81 = arith.cmpf oge, %broadcast_in_dim3A_78, %ge3A_80 : vector<128x1xf32>
    %select_n3A_82 = arith.select %ge3A_81, %or3A_68, %select_n3A_61 : vector<128x1xi1>, vector<128x1xi32>
    %scan3A_83 = arith.constant 4 : i32
    %sub3A_84 = arith.constant 31 : i32
    %sub3A_85 = arith.subi %sub3A_84, %scan3A_83 : i32
    %shift_left3A_86 = arith.constant 1 : i32
    %shift_left3A_87 = arith.shli %shift_left3A_86, %sub3A_85 : i32
    %or3A_88 = vector.broadcast %shift_left3A_87 : i32 to vector<128x1xi32>
    %or3A_89 = arith.ori %select_n3A_82, %or3A_88 : vector<128x1xi32>
    %xor3A_90 = arith.constant -2147483648 : i32
    %xor3A_91 = vector.broadcast %xor3A_90 : i32 to vector<128x1xi32>
    %xor3A_92 = arith.xori %or3A_89, %xor3A_91 : vector<128x1xi32>
    %ge3A_93 = vector.broadcast %xor3A_92 : vector<128x1xi32> to vector<128x8192xi32>
    %ge3A_94 = arith.cmpi sge, %xor3A, %ge3A_93 : vector<128x8192xi32>
    %convert_element_type3A_95 = arith.extui %ge3A_94 : vector<128x8192xi1> to vector<128x8192xi32>
    %convert_element_type3A_96 = arith.sitofp %convert_element_type3A_95 : vector<128x8192xi32> to vector<128x8192xf32>
    %reduce_sum3A_97 = arith.constant dense<0.000000e+00> : vector<128xf32>
    %reduce_sum3A_98 = vector.multi_reduction <add>, %convert_element_type3A_96, %reduce_sum3A_97 [1] : vector<128x8192xf32> to vector<128xf32>
    %broadcast_in_dim3A_99 = vector.shape_cast %reduce_sum3A_98 : vector<128xf32> to vector<128x1xf32>
    %ge3A_100 = arith.constant 6.400000e+01 : f32
    %ge3A_101 = vector.broadcast %ge3A_100 : f32 to vector<128x1xf32>
    %ge3A_102 = arith.cmpf oge, %broadcast_in_dim3A_99, %ge3A_101 : vector<128x1xf32>
    %select_n3A_103 = arith.select %ge3A_102, %or3A_89, %select_n3A_82 : vector<128x1xi1>, vector<128x1xi32>
    %scan3A_104 = arith.constant 5 : i32
    %sub3A_105 = arith.constant 31 : i32
    %sub3A_106 = arith.subi %sub3A_105, %scan3A_104 : i32
    %shift_left3A_107 = arith.constant 1 : i32
    %shift_left3A_108 = arith.shli %shift_left3A_107, %sub3A_106 : i32
    %or3A_109 = vector.broadcast %shift_left3A_108 : i32 to vector<128x1xi32>
    %or3A_110 = arith.ori %select_n3A_103, %or3A_109 : vector<128x1xi32>
    %xor3A_111 = arith.constant -2147483648 : i32
    %xor3A_112 = vector.broadcast %xor3A_111 : i32 to vector<128x1xi32>
    %xor3A_113 = arith.xori %or3A_110, %xor3A_112 : vector<128x1xi32>
    %ge3A_114 = vector.broadcast %xor3A_113 : vector<128x1xi32> to vector<128x8192xi32>
    %ge3A_115 = arith.cmpi sge, %xor3A, %ge3A_114 : vector<128x8192xi32>
    %convert_element_type3A_116 = arith.extui %ge3A_115 : vector<128x8192xi1> to vector<128x8192xi32>
    %convert_element_type3A_117 = arith.sitofp %convert_element_type3A_116 : vector<128x8192xi32> to vector<128x8192xf32>
    %reduce_sum3A_118 = arith.constant dense<0.000000e+00> : vector<128xf32>
    %reduce_sum3A_119 = vector.multi_reduction <add>, %convert_element_type3A_117, %reduce_sum3A_118 [1] : vector<128x8192xf32> to vector<128xf32>
    %broadcast_in_dim3A_120 = vector.shape_cast %reduce_sum3A_119 : vector<128xf32> to vector<128x1xf32>
    %ge3A_121 = arith.constant 6.400000e+01 : f32
    %ge3A_122 = vector.broadcast %ge3A_121 : f32 to vector<128x1xf32>
    %ge3A_123 = arith.cmpf oge, %broadcast_in_dim3A_120, %ge3A_122 : vector<128x1xf32>
    %select_n3A_124 = arith.select %ge3A_123, %or3A_110, %select_n3A_103 : vector<128x1xi1>, vector<128x1xi32>
    %scan3A_125 = arith.constant 6 : i32
    %sub3A_126 = arith.constant 31 : i32
    %sub3A_127 = arith.subi %sub3A_126, %scan3A_125 : i32
    %shift_left3A_128 = arith.constant 1 : i32
    %shift_left3A_129 = arith.shli %shift_left3A_128, %sub3A_127 : i32
    %or3A_130 = vector.broadcast %shift_left3A_129 : i32 to vector<128x1xi32>
    %or3A_131 = arith.ori %select_n3A_124, %or3A_130 : vector<128x1xi32>
    %xor3A_132 = arith.constant -2147483648 : i32
    %xor3A_133 = vector.broadcast %xor3A_132 : i32 to vector<128x1xi32>
    %xor3A_134 = arith.xori %or3A_131, %xor3A_133 : vector<128x1xi32>
    %ge3A_135 = vector.broadcast %xor3A_134 : vector<128x1xi32> to vector<128x8192xi32>
    %ge3A_136 = arith.cmpi sge, %xor3A, %ge3A_135 : vector<128x8192xi32>
    %convert_element_type3A_137 = arith.extui %ge3A_136 : vector<128x8192xi1> to vector<128x8192xi32>
    %convert_element_type3A_138 = arith.sitofp %convert_element_type3A_137 : vector<128x8192xi32> to vector<128x8192xf32>
    %reduce_sum3A_139 = arith.constant dense<0.000000e+00> : vector<128xf32>
    %reduce_sum3A_140 = vector.multi_reduction <add>, %convert_element_type3A_138, %reduce_sum3A_139 [1] : vector<128x8192xf32> to vector<128xf32>
    %broadcast_in_dim3A_141 = vector.shape_cast %reduce_sum3A_140 : vector<128xf32> to vector<128x1xf32>
    %ge3A_142 = arith.constant 6.400000e+01 : f32
    %ge3A_143 = vector.broadcast %ge3A_142 : f32 to vector<128x1xf32>
    %ge3A_144 = arith.cmpf oge, %broadcast_in_dim3A_141, %ge3A_143 : vector<128x1xf32>
    %select_n3A_145 = arith.select %ge3A_144, %or3A_131, %select_n3A_124 : vector<128x1xi1>, vector<128x1xi32>
    %scan3A_146 = arith.constant 7 : i32
    %sub3A_147 = arith.constant 31 : i32
    %sub3A_148 = arith.subi %sub3A_147, %scan3A_146 : i32
    %shift_left3A_149 = arith.constant 1 : i32
    %shift_left3A_150 = arith.shli %shift_left3A_149, %sub3A_148 : i32
    %or3A_151 = vector.broadcast %shift_left3A_150 : i32 to vector<128x1xi32>
    %or3A_152 = arith.ori %select_n3A_145, %or3A_151 : vector<128x1xi32>
    %xor3A_153 = arith.constant -2147483648 : i32
    %xor3A_154 = vector.broadcast %xor3A_153 : i32 to vector<128x1xi32>
    %xor3A_155 = arith.xori %or3A_152, %xor3A_154 : vector<128x1xi32>
    %ge3A_156 = vector.broadcast %xor3A_155 : vector<128x1xi32> to vector<128x8192xi32>
    %ge3A_157 = arith.cmpi sge, %xor3A, %ge3A_156 : vector<128x8192xi32>
    %convert_element_type3A_158 = arith.extui %ge3A_157 : vector<128x8192xi1> to vector<128x8192xi32>
    %convert_element_type3A_159 = arith.sitofp %convert_element_type3A_158 : vector<128x8192xi32> to vector<128x8192xf32>
    %reduce_sum3A_160 = arith.constant dense<0.000000e+00> : vector<128xf32>
    %reduce_sum3A_161 = vector.multi_reduction <add>, %convert_element_type3A_159, %reduce_sum3A_160 [1] : vector<128x8192xf32> to vector<128xf32>
    %broadcast_in_dim3A_162 = vector.shape_cast %reduce_sum3A_161 : vector<128xf32> to vector<128x1xf32>
    %ge3A_163 = arith.constant 6.400000e+01 : f32
    %ge3A_164 = vector.broadcast %ge3A_163 : f32 to vector<128x1xf32>
    %ge3A_165 = arith.cmpf oge, %broadcast_in_dim3A_162, %ge3A_164 : vector<128x1xf32>
    %select_n3A_166 = arith.select %ge3A_165, %or3A_152, %select_n3A_145 : vector<128x1xi1>, vector<128x1xi32>
    %scan3A_167 = arith.constant 8 : i32
    %sub3A_168 = arith.constant 31 : i32
    %sub3A_169 = arith.subi %sub3A_168, %scan3A_167 : i32
    %shift_left3A_170 = arith.constant 1 : i32
    %shift_left3A_171 = arith.shli %shift_left3A_170, %sub3A_169 : i32
    %or3A_172 = vector.broadcast %shift_left3A_171 : i32 to vector<128x1xi32>
    %or3A_173 = arith.ori %select_n3A_166, %or3A_172 : vector<128x1xi32>
    %xor3A_174 = arith.constant -2147483648 : i32
    %xor3A_175 = vector.broadcast %xor3A_174 : i32 to vector<128x1xi32>
    %xor3A_176 = arith.xori %or3A_173, %xor3A_175 : vector<128x1xi32>
    %ge3A_177 = vector.broadcast %xor3A_176 : vector<128x1xi32> to vector<128x8192xi32>
    %ge3A_178 = arith.cmpi sge, %xor3A, %ge3A_177 : vector<128x8192xi32>
    %convert_element_type3A_179 = arith.extui %ge3A_178 : vector<128x8192xi1> to vector<128x8192xi32>
    %convert_element_type3A_180 = arith.sitofp %convert_element_type3A_179 : vector<128x8192xi32> to vector<128x8192xf32>
    %reduce_sum3A_181 = arith.constant dense<0.000000e+00> : vector<128xf32>
    %reduce_sum3A_182 = vector.multi_reduction <add>, %convert_element_type3A_180, %reduce_sum3A_181 [1] : vector<128x8192xf32> to vector<128xf32>
    %broadcast_in_dim3A_183 = vector.shape_cast %reduce_sum3A_182 : vector<128xf32> to vector<128x1xf32>
    %ge3A_184 = arith.constant 6.400000e+01 : f32
    %ge3A_185 = vector.broadcast %ge3A_184 : f32 to vector<128x1xf32>
    %ge3A_186 = arith.cmpf oge, %broadcast_in_dim3A_183, %ge3A_185 : vector<128x1xf32>
    %select_n3A_187 = arith.select %ge3A_186, %or3A_173, %select_n3A_166 : vector<128x1xi1>, vector<128x1xi32>
    %scan3A_188 = arith.constant 9 : i32
    %sub3A_189 = arith.constant 31 : i32
    %sub3A_190 = arith.subi %sub3A_189, %scan3A_188 : i32
    %shift_left3A_191 = arith.constant 1 : i32
    %shift_left3A_192 = arith.shli %shift_left3A_191, %sub3A_190 : i32
    %or3A_193 = vector.broadcast %shift_left3A_192 : i32 to vector<128x1xi32>
    %or3A_194 = arith.ori %select_n3A_187, %or3A_193 : vector<128x1xi32>
    %xor3A_195 = arith.constant -2147483648 : i32
    %xor3A_196 = vector.broadcast %xor3A_195 : i32 to vector<128x1xi32>
    %xor3A_197 = arith.xori %or3A_194, %xor3A_196 : vector<128x1xi32>
    %ge3A_198 = vector.broadcast %xor3A_197 : vector<128x1xi32> to vector<128x8192xi32>
    %ge3A_199 = arith.cmpi sge, %xor3A, %ge3A_198 : vector<128x8192xi32>
    %convert_element_type3A_200 = arith.extui %ge3A_199 : vector<128x8192xi1> to vector<128x8192xi32>
    %convert_element_type3A_201 = arith.sitofp %convert_element_type3A_200 : vector<128x8192xi32> to vector<128x8192xf32>
    %reduce_sum3A_202 = arith.constant dense<0.000000e+00> : vector<128xf32>
    %reduce_sum3A_203 = vector.multi_reduction <add>, %convert_element_type3A_201, %reduce_sum3A_202 [1] : vector<128x8192xf32> to vector<128xf32>
    %broadcast_in_dim3A_204 = vector.shape_cast %reduce_sum3A_203 : vector<128xf32> to vector<128x1xf32>
    %ge3A_205 = arith.constant 6.400000e+01 : f32
    %ge3A_206 = vector.broadcast %ge3A_205 : f32 to vector<128x1xf32>
    %ge3A_207 = arith.cmpf oge, %broadcast_in_dim3A_204, %ge3A_206 : vector<128x1xf32>
    %select_n3A_208 = arith.select %ge3A_207, %or3A_194, %select_n3A_187 : vector<128x1xi1>, vector<128x1xi32>
    %scan3A_209 = arith.constant 10 : i32
    %sub3A_210 = arith.constant 31 : i32
    %sub3A_211 = arith.subi %sub3A_210, %scan3A_209 : i32
    %shift_left3A_212 = arith.constant 1 : i32
    %shift_left3A_213 = arith.shli %shift_left3A_212, %sub3A_211 : i32
    %or3A_214 = vector.broadcast %shift_left3A_213 : i32 to vector<128x1xi32>
    %or3A_215 = arith.ori %select_n3A_208, %or3A_214 : vector<128x1xi32>
    %xor3A_216 = arith.constant -2147483648 : i32
    %xor3A_217 = vector.broadcast %xor3A_216 : i32 to vector<128x1xi32>
    %xor3A_218 = arith.xori %or3A_215, %xor3A_217 : vector<128x1xi32>
    %ge3A_219 = vector.broadcast %xor3A_218 : vector<128x1xi32> to vector<128x8192xi32>
    %ge3A_220 = arith.cmpi sge, %xor3A, %ge3A_219 : vector<128x8192xi32>
    %convert_element_type3A_221 = arith.extui %ge3A_220 : vector<128x8192xi1> to vector<128x8192xi32>
    %convert_element_type3A_222 = arith.sitofp %convert_element_type3A_221 : vector<128x8192xi32> to vector<128x8192xf32>
    %reduce_sum3A_223 = arith.constant dense<0.000000e+00> : vector<128xf32>
    %reduce_sum3A_224 = vector.multi_reduction <add>, %convert_element_type3A_222, %reduce_sum3A_223 [1] : vector<128x8192xf32> to vector<128xf32>
    %broadcast_in_dim3A_225 = vector.shape_cast %reduce_sum3A_224 : vector<128xf32> to vector<128x1xf32>
    %ge3A_226 = arith.constant 6.400000e+01 : f32
    %ge3A_227 = vector.broadcast %ge3A_226 : f32 to vector<128x1xf32>
    %ge3A_228 = arith.cmpf oge, %broadcast_in_dim3A_225, %ge3A_227 : vector<128x1xf32>
    %select_n3A_229 = arith.select %ge3A_228, %or3A_215, %select_n3A_208 : vector<128x1xi1>, vector<128x1xi32>
    %scan3A_230 = arith.constant 11 : i32
    %sub3A_231 = arith.constant 31 : i32
    %sub3A_232 = arith.subi %sub3A_231, %scan3A_230 : i32
    %shift_left3A_233 = arith.constant 1 : i32
    %shift_left3A_234 = arith.shli %shift_left3A_233, %sub3A_232 : i32
    %or3A_235 = vector.broadcast %shift_left3A_234 : i32 to vector<128x1xi32>
    %or3A_236 = arith.ori %select_n3A_229, %or3A_235 : vector<128x1xi32>
    %xor3A_237 = arith.constant -2147483648 : i32
    %xor3A_238 = vector.broadcast %xor3A_237 : i32 to vector<128x1xi32>
    %xor3A_239 = arith.xori %or3A_236, %xor3A_238 : vector<128x1xi32>
    %ge3A_240 = vector.broadcast %xor3A_239 : vector<128x1xi32> to vector<128x8192xi32>
    %ge3A_241 = arith.cmpi sge, %xor3A, %ge3A_240 : vector<128x8192xi32>
    %convert_element_type3A_242 = arith.extui %ge3A_241 : vector<128x8192xi1> to vector<128x8192xi32>
    %convert_element_type3A_243 = arith.sitofp %convert_element_type3A_242 : vector<128x8192xi32> to vector<128x8192xf32>
    %reduce_sum3A_244 = arith.constant dense<0.000000e+00> : vector<128xf32>
    %reduce_sum3A_245 = vector.multi_reduction <add>, %convert_element_type3A_243, %reduce_sum3A_244 [1] : vector<128x8192xf32> to vector<128xf32>
    %broadcast_in_dim3A_246 = vector.shape_cast %reduce_sum3A_245 : vector<128xf32> to vector<128x1xf32>
    %ge3A_247 = arith.constant 6.400000e+01 : f32
    %ge3A_248 = vector.broadcast %ge3A_247 : f32 to vector<128x1xf32>
    %ge3A_249 = arith.cmpf oge, %broadcast_in_dim3A_246, %ge3A_248 : vector<128x1xf32>
    %select_n3A_250 = arith.select %ge3A_249, %or3A_236, %select_n3A_229 : vector<128x1xi1>, vector<128x1xi32>
    %scan3A_251 = arith.constant 12 : i32
    %sub3A_252 = arith.constant 31 : i32
    %sub3A_253 = arith.subi %sub3A_252, %scan3A_251 : i32
    %shift_left3A_254 = arith.constant 1 : i32
    %shift_left3A_255 = arith.shli %shift_left3A_254, %sub3A_253 : i32
    %or3A_256 = vector.broadcast %shift_left3A_255 : i32 to vector<128x1xi32>
    %or3A_257 = arith.ori %select_n3A_250, %or3A_256 : vector<128x1xi32>
    %xor3A_258 = arith.constant -2147483648 : i32
    %xor3A_259 = vector.broadcast %xor3A_258 : i32 to vector<128x1xi32>
    %xor3A_260 = arith.xori %or3A_257, %xor3A_259 : vector<128x1xi32>
    %ge3A_261 = vector.broadcast %xor3A_260 : vector<128x1xi32> to vector<128x8192xi32>
    %ge3A_262 = arith.cmpi sge, %xor3A, %ge3A_261 : vector<128x8192xi32>
    %convert_element_type3A_263 = arith.extui %ge3A_262 : vector<128x8192xi1> to vector<128x8192xi32>
    %convert_element_type3A_264 = arith.sitofp %convert_element_type3A_263 : vector<128x8192xi32> to vector<128x8192xf32>
    %reduce_sum3A_265 = arith.constant dense<0.000000e+00> : vector<128xf32>
    %reduce_sum3A_266 = vector.multi_reduction <add>, %convert_element_type3A_264, %reduce_sum3A_265 [1] : vector<128x8192xf32> to vector<128xf32>
    %broadcast_in_dim3A_267 = vector.shape_cast %reduce_sum3A_266 : vector<128xf32> to vector<128x1xf32>
    %ge3A_268 = arith.constant 6.400000e+01 : f32
    %ge3A_269 = vector.broadcast %ge3A_268 : f32 to vector<128x1xf32>
    %ge3A_270 = arith.cmpf oge, %broadcast_in_dim3A_267, %ge3A_269 : vector<128x1xf32>
    %select_n3A_271 = arith.select %ge3A_270, %or3A_257, %select_n3A_250 : vector<128x1xi1>, vector<128x1xi32>
    %scan3A_272 = arith.constant 13 : i32
    %sub3A_273 = arith.constant 31 : i32
    %sub3A_274 = arith.subi %sub3A_273, %scan3A_272 : i32
    %shift_left3A_275 = arith.constant 1 : i32
    %shift_left3A_276 = arith.shli %shift_left3A_275, %sub3A_274 : i32
    %or3A_277 = vector.broadcast %shift_left3A_276 : i32 to vector<128x1xi32>
    %or3A_278 = arith.ori %select_n3A_271, %or3A_277 : vector<128x1xi32>
    %xor3A_279 = arith.constant -2147483648 : i32
    %xor3A_280 = vector.broadcast %xor3A_279 : i32 to vector<128x1xi32>
    %xor3A_281 = arith.xori %or3A_278, %xor3A_280 : vector<128x1xi32>
    %ge3A_282 = vector.broadcast %xor3A_281 : vector<128x1xi32> to vector<128x8192xi32>
    %ge3A_283 = arith.cmpi sge, %xor3A, %ge3A_282 : vector<128x8192xi32>
    %convert_element_type3A_284 = arith.extui %ge3A_283 : vector<128x8192xi1> to vector<128x8192xi32>
    %convert_element_type3A_285 = arith.sitofp %convert_element_type3A_284 : vector<128x8192xi32> to vector<128x8192xf32>
    %reduce_sum3A_286 = arith.constant dense<0.000000e+00> : vector<128xf32>
    %reduce_sum3A_287 = vector.multi_reduction <add>, %convert_element_type3A_285, %reduce_sum3A_286 [1] : vector<128x8192xf32> to vector<128xf32>
    %broadcast_in_dim3A_288 = vector.shape_cast %reduce_sum3A_287 : vector<128xf32> to vector<128x1xf32>
    %ge3A_289 = arith.constant 6.400000e+01 : f32
    %ge3A_290 = vector.broadcast %ge3A_289 : f32 to vector<128x1xf32>
    %ge3A_291 = arith.cmpf oge, %broadcast_in_dim3A_288, %ge3A_290 : vector<128x1xf32>
    %select_n3A_292 = arith.select %ge3A_291, %or3A_278, %select_n3A_271 : vector<128x1xi1>, vector<128x1xi32>
    %scan3A_293 = arith.constant 14 : i32
    %sub3A_294 = arith.constant 31 : i32
    %sub3A_295 = arith.subi %sub3A_294, %scan3A_293 : i32
    %shift_left3A_296 = arith.constant 1 : i32
    %shift_left3A_297 = arith.shli %shift_left3A_296, %sub3A_295 : i32
    %or3A_298 = vector.broadcast %shift_left3A_297 : i32 to vector<128x1xi32>
    %or3A_299 = arith.ori %select_n3A_292, %or3A_298 : vector<128x1xi32>
    %xor3A_300 = arith.constant -2147483648 : i32
    %xor3A_301 = vector.broadcast %xor3A_300 : i32 to vector<128x1xi32>
    %xor3A_302 = arith.xori %or3A_299, %xor3A_301 : vector<128x1xi32>
    %ge3A_303 = vector.broadcast %xor3A_302 : vector<128x1xi32> to vector<128x8192xi32>
    %ge3A_304 = arith.cmpi sge, %xor3A, %ge3A_303 : vector<128x8192xi32>
    %convert_element_type3A_305 = arith.extui %ge3A_304 : vector<128x8192xi1> to vector<128x8192xi32>
    %convert_element_type3A_306 = arith.sitofp %convert_element_type3A_305 : vector<128x8192xi32> to vector<128x8192xf32>
    %reduce_sum3A_307 = arith.constant dense<0.000000e+00> : vector<128xf32>
    %reduce_sum3A_308 = vector.multi_reduction <add>, %convert_element_type3A_306, %reduce_sum3A_307 [1] : vector<128x8192xf32> to vector<128xf32>
    %broadcast_in_dim3A_309 = vector.shape_cast %reduce_sum3A_308 : vector<128xf32> to vector<128x1xf32>
    %ge3A_310 = arith.constant 6.400000e+01 : f32
    %ge3A_311 = vector.broadcast %ge3A_310 : f32 to vector<128x1xf32>
    %ge3A_312 = arith.cmpf oge, %broadcast_in_dim3A_309, %ge3A_311 : vector<128x1xf32>
    %select_n3A_313 = arith.select %ge3A_312, %or3A_299, %select_n3A_292 : vector<128x1xi1>, vector<128x1xi32>
    %scan3A_314 = arith.constant 15 : i32
    %sub3A_315 = arith.constant 31 : i32
    %sub3A_316 = arith.subi %sub3A_315, %scan3A_314 : i32
    %shift_left3A_317 = arith.constant 1 : i32
    %shift_left3A_318 = arith.shli %shift_left3A_317, %sub3A_316 : i32
    %or3A_319 = vector.broadcast %shift_left3A_318 : i32 to vector<128x1xi32>
    %or3A_320 = arith.ori %select_n3A_313, %or3A_319 : vector<128x1xi32>
    %xor3A_321 = arith.constant -2147483648 : i32
    %xor3A_322 = vector.broadcast %xor3A_321 : i32 to vector<128x1xi32>
    %xor3A_323 = arith.xori %or3A_320, %xor3A_322 : vector<128x1xi32>
    %ge3A_324 = vector.broadcast %xor3A_323 : vector<128x1xi32> to vector<128x8192xi32>
    %ge3A_325 = arith.cmpi sge, %xor3A, %ge3A_324 : vector<128x8192xi32>
    %convert_element_type3A_326 = arith.extui %ge3A_325 : vector<128x8192xi1> to vector<128x8192xi32>
    %convert_element_type3A_327 = arith.sitofp %convert_element_type3A_326 : vector<128x8192xi32> to vector<128x8192xf32>
    %reduce_sum3A_328 = arith.constant dense<0.000000e+00> : vector<128xf32>
    %reduce_sum3A_329 = vector.multi_reduction <add>, %convert_element_type3A_327, %reduce_sum3A_328 [1] : vector<128x8192xf32> to vector<128xf32>
    %broadcast_in_dim3A_330 = vector.shape_cast %reduce_sum3A_329 : vector<128xf32> to vector<128x1xf32>
    %ge3A_331 = arith.constant 6.400000e+01 : f32
    %ge3A_332 = vector.broadcast %ge3A_331 : f32 to vector<128x1xf32>
    %ge3A_333 = arith.cmpf oge, %broadcast_in_dim3A_330, %ge3A_332 : vector<128x1xf32>
    %select_n3A_334 = arith.select %ge3A_333, %or3A_320, %select_n3A_313 : vector<128x1xi1>, vector<128x1xi32>
    %scan3A_335 = arith.constant 16 : i32
    %sub3A_336 = arith.constant 31 : i32
    %sub3A_337 = arith.subi %sub3A_336, %scan3A_335 : i32
    %shift_left3A_338 = arith.constant 1 : i32
    %shift_left3A_339 = arith.shli %shift_left3A_338, %sub3A_337 : i32
    %or3A_340 = vector.broadcast %shift_left3A_339 : i32 to vector<128x1xi32>
    %or3A_341 = arith.ori %select_n3A_334, %or3A_340 : vector<128x1xi32>
    %xor3A_342 = arith.constant -2147483648 : i32
    %xor3A_343 = vector.broadcast %xor3A_342 : i32 to vector<128x1xi32>
    %xor3A_344 = arith.xori %or3A_341, %xor3A_343 : vector<128x1xi32>
    %ge3A_345 = vector.broadcast %xor3A_344 : vector<128x1xi32> to vector<128x8192xi32>
    %ge3A_346 = arith.cmpi sge, %xor3A, %ge3A_345 : vector<128x8192xi32>
    %convert_element_type3A_347 = arith.extui %ge3A_346 : vector<128x8192xi1> to vector<128x8192xi32>
    %convert_element_type3A_348 = arith.sitofp %convert_element_type3A_347 : vector<128x8192xi32> to vector<128x8192xf32>
    %reduce_sum3A_349 = arith.constant dense<0.000000e+00> : vector<128xf32>
    %reduce_sum3A_350 = vector.multi_reduction <add>, %convert_element_type3A_348, %reduce_sum3A_349 [1] : vector<128x8192xf32> to vector<128xf32>
    %broadcast_in_dim3A_351 = vector.shape_cast %reduce_sum3A_350 : vector<128xf32> to vector<128x1xf32>
    %ge3A_352 = arith.constant 6.400000e+01 : f32
    %ge3A_353 = vector.broadcast %ge3A_352 : f32 to vector<128x1xf32>
    %ge3A_354 = arith.cmpf oge, %broadcast_in_dim3A_351, %ge3A_353 : vector<128x1xf32>
    %select_n3A_355 = arith.select %ge3A_354, %or3A_341, %select_n3A_334 : vector<128x1xi1>, vector<128x1xi32>
    %scan3A_356 = arith.constant 17 : i32
    %sub3A_357 = arith.constant 31 : i32
    %sub3A_358 = arith.subi %sub3A_357, %scan3A_356 : i32
    %shift_left3A_359 = arith.constant 1 : i32
    %shift_left3A_360 = arith.shli %shift_left3A_359, %sub3A_358 : i32
    %or3A_361 = vector.broadcast %shift_left3A_360 : i32 to vector<128x1xi32>
    %or3A_362 = arith.ori %select_n3A_355, %or3A_361 : vector<128x1xi32>
    %xor3A_363 = arith.constant -2147483648 : i32
    %xor3A_364 = vector.broadcast %xor3A_363 : i32 to vector<128x1xi32>
    %xor3A_365 = arith.xori %or3A_362, %xor3A_364 : vector<128x1xi32>
    %ge3A_366 = vector.broadcast %xor3A_365 : vector<128x1xi32> to vector<128x8192xi32>
    %ge3A_367 = arith.cmpi sge, %xor3A, %ge3A_366 : vector<128x8192xi32>
    %convert_element_type3A_368 = arith.extui %ge3A_367 : vector<128x8192xi1> to vector<128x8192xi32>
    %convert_element_type3A_369 = arith.sitofp %convert_element_type3A_368 : vector<128x8192xi32> to vector<128x8192xf32>
    %reduce_sum3A_370 = arith.constant dense<0.000000e+00> : vector<128xf32>
    %reduce_sum3A_371 = vector.multi_reduction <add>, %convert_element_type3A_369, %reduce_sum3A_370 [1] : vector<128x8192xf32> to vector<128xf32>
    %broadcast_in_dim3A_372 = vector.shape_cast %reduce_sum3A_371 : vector<128xf32> to vector<128x1xf32>
    %ge3A_373 = arith.constant 6.400000e+01 : f32
    %ge3A_374 = vector.broadcast %ge3A_373 : f32 to vector<128x1xf32>
    %ge3A_375 = arith.cmpf oge, %broadcast_in_dim3A_372, %ge3A_374 : vector<128x1xf32>
    %select_n3A_376 = arith.select %ge3A_375, %or3A_362, %select_n3A_355 : vector<128x1xi1>, vector<128x1xi32>
    %scan3A_377 = arith.constant 18 : i32
    %sub3A_378 = arith.constant 31 : i32
    %sub3A_379 = arith.subi %sub3A_378, %scan3A_377 : i32
    %shift_left3A_380 = arith.constant 1 : i32
    %shift_left3A_381 = arith.shli %shift_left3A_380, %sub3A_379 : i32
    %or3A_382 = vector.broadcast %shift_left3A_381 : i32 to vector<128x1xi32>
    %or3A_383 = arith.ori %select_n3A_376, %or3A_382 : vector<128x1xi32>
    %xor3A_384 = arith.constant -2147483648 : i32
    %xor3A_385 = vector.broadcast %xor3A_384 : i32 to vector<128x1xi32>
    %xor3A_386 = arith.xori %or3A_383, %xor3A_385 : vector<128x1xi32>
    %ge3A_387 = vector.broadcast %xor3A_386 : vector<128x1xi32> to vector<128x8192xi32>
    %ge3A_388 = arith.cmpi sge, %xor3A, %ge3A_387 : vector<128x8192xi32>
    %convert_element_type3A_389 = arith.extui %ge3A_388 : vector<128x8192xi1> to vector<128x8192xi32>
    %convert_element_type3A_390 = arith.sitofp %convert_element_type3A_389 : vector<128x8192xi32> to vector<128x8192xf32>
    %reduce_sum3A_391 = arith.constant dense<0.000000e+00> : vector<128xf32>
    %reduce_sum3A_392 = vector.multi_reduction <add>, %convert_element_type3A_390, %reduce_sum3A_391 [1] : vector<128x8192xf32> to vector<128xf32>
    %broadcast_in_dim3A_393 = vector.shape_cast %reduce_sum3A_392 : vector<128xf32> to vector<128x1xf32>
    %ge3A_394 = arith.constant 6.400000e+01 : f32
    %ge3A_395 = vector.broadcast %ge3A_394 : f32 to vector<128x1xf32>
    %ge3A_396 = arith.cmpf oge, %broadcast_in_dim3A_393, %ge3A_395 : vector<128x1xf32>
    %select_n3A_397 = arith.select %ge3A_396, %or3A_383, %select_n3A_376 : vector<128x1xi1>, vector<128x1xi32>
    %scan3A_398 = arith.constant 19 : i32
    %sub3A_399 = arith.constant 31 : i32
    %sub3A_400 = arith.subi %sub3A_399, %scan3A_398 : i32
    %shift_left3A_401 = arith.constant 1 : i32
    %shift_left3A_402 = arith.shli %shift_left3A_401, %sub3A_400 : i32
    %or3A_403 = vector.broadcast %shift_left3A_402 : i32 to vector<128x1xi32>
    %or3A_404 = arith.ori %select_n3A_397, %or3A_403 : vector<128x1xi32>
    %xor3A_405 = arith.constant -2147483648 : i32
    %xor3A_406 = vector.broadcast %xor3A_405 : i32 to vector<128x1xi32>
    %xor3A_407 = arith.xori %or3A_404, %xor3A_406 : vector<128x1xi32>
    %ge3A_408 = vector.broadcast %xor3A_407 : vector<128x1xi32> to vector<128x8192xi32>
    %ge3A_409 = arith.cmpi sge, %xor3A, %ge3A_408 : vector<128x8192xi32>
    %convert_element_type3A_410 = arith.extui %ge3A_409 : vector<128x8192xi1> to vector<128x8192xi32>
    %convert_element_type3A_411 = arith.sitofp %convert_element_type3A_410 : vector<128x8192xi32> to vector<128x8192xf32>
    %reduce_sum3A_412 = arith.constant dense<0.000000e+00> : vector<128xf32>
    %reduce_sum3A_413 = vector.multi_reduction <add>, %convert_element_type3A_411, %reduce_sum3A_412 [1] : vector<128x8192xf32> to vector<128xf32>
    %broadcast_in_dim3A_414 = vector.shape_cast %reduce_sum3A_413 : vector<128xf32> to vector<128x1xf32>
    %ge3A_415 = arith.constant 6.400000e+01 : f32
    %ge3A_416 = vector.broadcast %ge3A_415 : f32 to vector<128x1xf32>
    %ge3A_417 = arith.cmpf oge, %broadcast_in_dim3A_414, %ge3A_416 : vector<128x1xf32>
    %select_n3A_418 = arith.select %ge3A_417, %or3A_404, %select_n3A_397 : vector<128x1xi1>, vector<128x1xi32>
    %scan3A_419 = arith.constant 20 : i32
    %sub3A_420 = arith.constant 31 : i32
    %sub3A_421 = arith.subi %sub3A_420, %scan3A_419 : i32
    %shift_left3A_422 = arith.constant 1 : i32
    %shift_left3A_423 = arith.shli %shift_left3A_422, %sub3A_421 : i32
    %or3A_424 = vector.broadcast %shift_left3A_423 : i32 to vector<128x1xi32>
    %or3A_425 = arith.ori %select_n3A_418, %or3A_424 : vector<128x1xi32>
    %xor3A_426 = arith.constant -2147483648 : i32
    %xor3A_427 = vector.broadcast %xor3A_426 : i32 to vector<128x1xi32>
    %xor3A_428 = arith.xori %or3A_425, %xor3A_427 : vector<128x1xi32>
    %ge3A_429 = vector.broadcast %xor3A_428 : vector<128x1xi32> to vector<128x8192xi32>
    %ge3A_430 = arith.cmpi sge, %xor3A, %ge3A_429 : vector<128x8192xi32>
    %convert_element_type3A_431 = arith.extui %ge3A_430 : vector<128x8192xi1> to vector<128x8192xi32>
    %convert_element_type3A_432 = arith.sitofp %convert_element_type3A_431 : vector<128x8192xi32> to vector<128x8192xf32>
    %reduce_sum3A_433 = arith.constant dense<0.000000e+00> : vector<128xf32>
    %reduce_sum3A_434 = vector.multi_reduction <add>, %convert_element_type3A_432, %reduce_sum3A_433 [1] : vector<128x8192xf32> to vector<128xf32>
    %broadcast_in_dim3A_435 = vector.shape_cast %reduce_sum3A_434 : vector<128xf32> to vector<128x1xf32>
    %ge3A_436 = arith.constant 6.400000e+01 : f32
    %ge3A_437 = vector.broadcast %ge3A_436 : f32 to vector<128x1xf32>
    %ge3A_438 = arith.cmpf oge, %broadcast_in_dim3A_435, %ge3A_437 : vector<128x1xf32>
    %select_n3A_439 = arith.select %ge3A_438, %or3A_425, %select_n3A_418 : vector<128x1xi1>, vector<128x1xi32>
    %scan3A_440 = arith.constant 21 : i32
    %sub3A_441 = arith.constant 31 : i32
    %sub3A_442 = arith.subi %sub3A_441, %scan3A_440 : i32
    %shift_left3A_443 = arith.constant 1 : i32
    %shift_left3A_444 = arith.shli %shift_left3A_443, %sub3A_442 : i32
    %or3A_445 = vector.broadcast %shift_left3A_444 : i32 to vector<128x1xi32>
    %or3A_446 = arith.ori %select_n3A_439, %or3A_445 : vector<128x1xi32>
    %xor3A_447 = arith.constant -2147483648 : i32
    %xor3A_448 = vector.broadcast %xor3A_447 : i32 to vector<128x1xi32>
    %xor3A_449 = arith.xori %or3A_446, %xor3A_448 : vector<128x1xi32>
    %ge3A_450 = vector.broadcast %xor3A_449 : vector<128x1xi32> to vector<128x8192xi32>
    %ge3A_451 = arith.cmpi sge, %xor3A, %ge3A_450 : vector<128x8192xi32>
    %convert_element_type3A_452 = arith.extui %ge3A_451 : vector<128x8192xi1> to vector<128x8192xi32>
    %convert_element_type3A_453 = arith.sitofp %convert_element_type3A_452 : vector<128x8192xi32> to vector<128x8192xf32>
    %reduce_sum3A_454 = arith.constant dense<0.000000e+00> : vector<128xf32>
    %reduce_sum3A_455 = vector.multi_reduction <add>, %convert_element_type3A_453, %reduce_sum3A_454 [1] : vector<128x8192xf32> to vector<128xf32>
    %broadcast_in_dim3A_456 = vector.shape_cast %reduce_sum3A_455 : vector<128xf32> to vector<128x1xf32>
    %ge3A_457 = arith.constant 6.400000e+01 : f32
    %ge3A_458 = vector.broadcast %ge3A_457 : f32 to vector<128x1xf32>
    %ge3A_459 = arith.cmpf oge, %broadcast_in_dim3A_456, %ge3A_458 : vector<128x1xf32>
    %select_n3A_460 = arith.select %ge3A_459, %or3A_446, %select_n3A_439 : vector<128x1xi1>, vector<128x1xi32>
    %scan3A_461 = arith.constant 22 : i32
    %sub3A_462 = arith.constant 31 : i32
    %sub3A_463 = arith.subi %sub3A_462, %scan3A_461 : i32
    %shift_left3A_464 = arith.constant 1 : i32
    %shift_left3A_465 = arith.shli %shift_left3A_464, %sub3A_463 : i32
    %or3A_466 = vector.broadcast %shift_left3A_465 : i32 to vector<128x1xi32>
    %or3A_467 = arith.ori %select_n3A_460, %or3A_466 : vector<128x1xi32>
    %xor3A_468 = arith.constant -2147483648 : i32
    %xor3A_469 = vector.broadcast %xor3A_468 : i32 to vector<128x1xi32>
    %xor3A_470 = arith.xori %or3A_467, %xor3A_469 : vector<128x1xi32>
    %ge3A_471 = vector.broadcast %xor3A_470 : vector<128x1xi32> to vector<128x8192xi32>
    %ge3A_472 = arith.cmpi sge, %xor3A, %ge3A_471 : vector<128x8192xi32>
    %convert_element_type3A_473 = arith.extui %ge3A_472 : vector<128x8192xi1> to vector<128x8192xi32>
    %convert_element_type3A_474 = arith.sitofp %convert_element_type3A_473 : vector<128x8192xi32> to vector<128x8192xf32>
    %reduce_sum3A_475 = arith.constant dense<0.000000e+00> : vector<128xf32>
    %reduce_sum3A_476 = vector.multi_reduction <add>, %convert_element_type3A_474, %reduce_sum3A_475 [1] : vector<128x8192xf32> to vector<128xf32>
    %broadcast_in_dim3A_477 = vector.shape_cast %reduce_sum3A_476 : vector<128xf32> to vector<128x1xf32>
    %ge3A_478 = arith.constant 6.400000e+01 : f32
    %ge3A_479 = vector.broadcast %ge3A_478 : f32 to vector<128x1xf32>
    %ge3A_480 = arith.cmpf oge, %broadcast_in_dim3A_477, %ge3A_479 : vector<128x1xf32>
    %select_n3A_481 = arith.select %ge3A_480, %or3A_467, %select_n3A_460 : vector<128x1xi1>, vector<128x1xi32>
    %scan3A_482 = arith.constant 23 : i32
    %sub3A_483 = arith.constant 31 : i32
    %sub3A_484 = arith.subi %sub3A_483, %scan3A_482 : i32
    %shift_left3A_485 = arith.constant 1 : i32
    %shift_left3A_486 = arith.shli %shift_left3A_485, %sub3A_484 : i32
    %or3A_487 = vector.broadcast %shift_left3A_486 : i32 to vector<128x1xi32>
    %or3A_488 = arith.ori %select_n3A_481, %or3A_487 : vector<128x1xi32>
    %xor3A_489 = arith.constant -2147483648 : i32
    %xor3A_490 = vector.broadcast %xor3A_489 : i32 to vector<128x1xi32>
    %xor3A_491 = arith.xori %or3A_488, %xor3A_490 : vector<128x1xi32>
    %ge3A_492 = vector.broadcast %xor3A_491 : vector<128x1xi32> to vector<128x8192xi32>
    %ge3A_493 = arith.cmpi sge, %xor3A, %ge3A_492 : vector<128x8192xi32>
    %convert_element_type3A_494 = arith.extui %ge3A_493 : vector<128x8192xi1> to vector<128x8192xi32>
    %convert_element_type3A_495 = arith.sitofp %convert_element_type3A_494 : vector<128x8192xi32> to vector<128x8192xf32>
    %reduce_sum3A_496 = arith.constant dense<0.000000e+00> : vector<128xf32>
    %reduce_sum3A_497 = vector.multi_reduction <add>, %convert_element_type3A_495, %reduce_sum3A_496 [1] : vector<128x8192xf32> to vector<128xf32>
    %broadcast_in_dim3A_498 = vector.shape_cast %reduce_sum3A_497 : vector<128xf32> to vector<128x1xf32>
    %ge3A_499 = arith.constant 6.400000e+01 : f32
    %ge3A_500 = vector.broadcast %ge3A_499 : f32 to vector<128x1xf32>
    %ge3A_501 = arith.cmpf oge, %broadcast_in_dim3A_498, %ge3A_500 : vector<128x1xf32>
    %select_n3A_502 = arith.select %ge3A_501, %or3A_488, %select_n3A_481 : vector<128x1xi1>, vector<128x1xi32>
    %scan3A_503 = arith.constant 24 : i32
    %sub3A_504 = arith.constant 31 : i32
    %sub3A_505 = arith.subi %sub3A_504, %scan3A_503 : i32
    %shift_left3A_506 = arith.constant 1 : i32
    %shift_left3A_507 = arith.shli %shift_left3A_506, %sub3A_505 : i32
    %or3A_508 = vector.broadcast %shift_left3A_507 : i32 to vector<128x1xi32>
    %or3A_509 = arith.ori %select_n3A_502, %or3A_508 : vector<128x1xi32>
    %xor3A_510 = arith.constant -2147483648 : i32
    %xor3A_511 = vector.broadcast %xor3A_510 : i32 to vector<128x1xi32>
    %xor3A_512 = arith.xori %or3A_509, %xor3A_511 : vector<128x1xi32>
    %ge3A_513 = vector.broadcast %xor3A_512 : vector<128x1xi32> to vector<128x8192xi32>
    %ge3A_514 = arith.cmpi sge, %xor3A, %ge3A_513 : vector<128x8192xi32>
    %convert_element_type3A_515 = arith.extui %ge3A_514 : vector<128x8192xi1> to vector<128x8192xi32>
    %convert_element_type3A_516 = arith.sitofp %convert_element_type3A_515 : vector<128x8192xi32> to vector<128x8192xf32>
    %reduce_sum3A_517 = arith.constant dense<0.000000e+00> : vector<128xf32>
    %reduce_sum3A_518 = vector.multi_reduction <add>, %convert_element_type3A_516, %reduce_sum3A_517 [1] : vector<128x8192xf32> to vector<128xf32>
    %broadcast_in_dim3A_519 = vector.shape_cast %reduce_sum3A_518 : vector<128xf32> to vector<128x1xf32>
    %ge3A_520 = arith.constant 6.400000e+01 : f32
    %ge3A_521 = vector.broadcast %ge3A_520 : f32 to vector<128x1xf32>
    %ge3A_522 = arith.cmpf oge, %broadcast_in_dim3A_519, %ge3A_521 : vector<128x1xf32>
    %select_n3A_523 = arith.select %ge3A_522, %or3A_509, %select_n3A_502 : vector<128x1xi1>, vector<128x1xi32>
    %scan3A_524 = arith.constant 25 : i32
    %sub3A_525 = arith.constant 31 : i32
    %sub3A_526 = arith.subi %sub3A_525, %scan3A_524 : i32
    %shift_left3A_527 = arith.constant 1 : i32
    %shift_left3A_528 = arith.shli %shift_left3A_527, %sub3A_526 : i32
    %or3A_529 = vector.broadcast %shift_left3A_528 : i32 to vector<128x1xi32>
    %or3A_530 = arith.ori %select_n3A_523, %or3A_529 : vector<128x1xi32>
    %xor3A_531 = arith.constant -2147483648 : i32
    %xor3A_532 = vector.broadcast %xor3A_531 : i32 to vector<128x1xi32>
    %xor3A_533 = arith.xori %or3A_530, %xor3A_532 : vector<128x1xi32>
    %ge3A_534 = vector.broadcast %xor3A_533 : vector<128x1xi32> to vector<128x8192xi32>
    %ge3A_535 = arith.cmpi sge, %xor3A, %ge3A_534 : vector<128x8192xi32>
    %convert_element_type3A_536 = arith.extui %ge3A_535 : vector<128x8192xi1> to vector<128x8192xi32>
    %convert_element_type3A_537 = arith.sitofp %convert_element_type3A_536 : vector<128x8192xi32> to vector<128x8192xf32>
    %reduce_sum3A_538 = arith.constant dense<0.000000e+00> : vector<128xf32>
    %reduce_sum3A_539 = vector.multi_reduction <add>, %convert_element_type3A_537, %reduce_sum3A_538 [1] : vector<128x8192xf32> to vector<128xf32>
    %broadcast_in_dim3A_540 = vector.shape_cast %reduce_sum3A_539 : vector<128xf32> to vector<128x1xf32>
    %ge3A_541 = arith.constant 6.400000e+01 : f32
    %ge3A_542 = vector.broadcast %ge3A_541 : f32 to vector<128x1xf32>
    %ge3A_543 = arith.cmpf oge, %broadcast_in_dim3A_540, %ge3A_542 : vector<128x1xf32>
    %select_n3A_544 = arith.select %ge3A_543, %or3A_530, %select_n3A_523 : vector<128x1xi1>, vector<128x1xi32>
    %scan3A_545 = arith.constant 26 : i32
    %sub3A_546 = arith.constant 31 : i32
    %sub3A_547 = arith.subi %sub3A_546, %scan3A_545 : i32
    %shift_left3A_548 = arith.constant 1 : i32
    %shift_left3A_549 = arith.shli %shift_left3A_548, %sub3A_547 : i32
    %or3A_550 = vector.broadcast %shift_left3A_549 : i32 to vector<128x1xi32>
    %or3A_551 = arith.ori %select_n3A_544, %or3A_550 : vector<128x1xi32>
    %xor3A_552 = arith.constant -2147483648 : i32
    %xor3A_553 = vector.broadcast %xor3A_552 : i32 to vector<128x1xi32>
    %xor3A_554 = arith.xori %or3A_551, %xor3A_553 : vector<128x1xi32>
    %ge3A_555 = vector.broadcast %xor3A_554 : vector<128x1xi32> to vector<128x8192xi32>
    %ge3A_556 = arith.cmpi sge, %xor3A, %ge3A_555 : vector<128x8192xi32>
    %convert_element_type3A_557 = arith.extui %ge3A_556 : vector<128x8192xi1> to vector<128x8192xi32>
    %convert_element_type3A_558 = arith.sitofp %convert_element_type3A_557 : vector<128x8192xi32> to vector<128x8192xf32>
    %reduce_sum3A_559 = arith.constant dense<0.000000e+00> : vector<128xf32>
    %reduce_sum3A_560 = vector.multi_reduction <add>, %convert_element_type3A_558, %reduce_sum3A_559 [1] : vector<128x8192xf32> to vector<128xf32>
    %broadcast_in_dim3A_561 = vector.shape_cast %reduce_sum3A_560 : vector<128xf32> to vector<128x1xf32>
    %ge3A_562 = arith.constant 6.400000e+01 : f32
    %ge3A_563 = vector.broadcast %ge3A_562 : f32 to vector<128x1xf32>
    %ge3A_564 = arith.cmpf oge, %broadcast_in_dim3A_561, %ge3A_563 : vector<128x1xf32>
    %select_n3A_565 = arith.select %ge3A_564, %or3A_551, %select_n3A_544 : vector<128x1xi1>, vector<128x1xi32>
    %scan3A_566 = arith.constant 27 : i32
    %sub3A_567 = arith.constant 31 : i32
    %sub3A_568 = arith.subi %sub3A_567, %scan3A_566 : i32
    %shift_left3A_569 = arith.constant 1 : i32
    %shift_left3A_570 = arith.shli %shift_left3A_569, %sub3A_568 : i32
    %or3A_571 = vector.broadcast %shift_left3A_570 : i32 to vector<128x1xi32>
    %or3A_572 = arith.ori %select_n3A_565, %or3A_571 : vector<128x1xi32>
    %xor3A_573 = arith.constant -2147483648 : i32
    %xor3A_574 = vector.broadcast %xor3A_573 : i32 to vector<128x1xi32>
    %xor3A_575 = arith.xori %or3A_572, %xor3A_574 : vector<128x1xi32>
    %ge3A_576 = vector.broadcast %xor3A_575 : vector<128x1xi32> to vector<128x8192xi32>
    %ge3A_577 = arith.cmpi sge, %xor3A, %ge3A_576 : vector<128x8192xi32>
    %convert_element_type3A_578 = arith.extui %ge3A_577 : vector<128x8192xi1> to vector<128x8192xi32>
    %convert_element_type3A_579 = arith.sitofp %convert_element_type3A_578 : vector<128x8192xi32> to vector<128x8192xf32>
    %reduce_sum3A_580 = arith.constant dense<0.000000e+00> : vector<128xf32>
    %reduce_sum3A_581 = vector.multi_reduction <add>, %convert_element_type3A_579, %reduce_sum3A_580 [1] : vector<128x8192xf32> to vector<128xf32>
    %broadcast_in_dim3A_582 = vector.shape_cast %reduce_sum3A_581 : vector<128xf32> to vector<128x1xf32>
    %ge3A_583 = arith.constant 6.400000e+01 : f32
    %ge3A_584 = vector.broadcast %ge3A_583 : f32 to vector<128x1xf32>
    %ge3A_585 = arith.cmpf oge, %broadcast_in_dim3A_582, %ge3A_584 : vector<128x1xf32>
    %select_n3A_586 = arith.select %ge3A_585, %or3A_572, %select_n3A_565 : vector<128x1xi1>, vector<128x1xi32>
    %scan3A_587 = arith.constant 28 : i32
    %sub3A_588 = arith.constant 31 : i32
    %sub3A_589 = arith.subi %sub3A_588, %scan3A_587 : i32
    %shift_left3A_590 = arith.constant 1 : i32
    %shift_left3A_591 = arith.shli %shift_left3A_590, %sub3A_589 : i32
    %or3A_592 = vector.broadcast %shift_left3A_591 : i32 to vector<128x1xi32>
    %or3A_593 = arith.ori %select_n3A_586, %or3A_592 : vector<128x1xi32>
    %xor3A_594 = arith.constant -2147483648 : i32
    %xor3A_595 = vector.broadcast %xor3A_594 : i32 to vector<128x1xi32>
    %xor3A_596 = arith.xori %or3A_593, %xor3A_595 : vector<128x1xi32>
    %ge3A_597 = vector.broadcast %xor3A_596 : vector<128x1xi32> to vector<128x8192xi32>
    %ge3A_598 = arith.cmpi sge, %xor3A, %ge3A_597 : vector<128x8192xi32>
    %convert_element_type3A_599 = arith.extui %ge3A_598 : vector<128x8192xi1> to vector<128x8192xi32>
    %convert_element_type3A_600 = arith.sitofp %convert_element_type3A_599 : vector<128x8192xi32> to vector<128x8192xf32>
    %reduce_sum3A_601 = arith.constant dense<0.000000e+00> : vector<128xf32>
    %reduce_sum3A_602 = vector.multi_reduction <add>, %convert_element_type3A_600, %reduce_sum3A_601 [1] : vector<128x8192xf32> to vector<128xf32>
    %broadcast_in_dim3A_603 = vector.shape_cast %reduce_sum3A_602 : vector<128xf32> to vector<128x1xf32>
    %ge3A_604 = arith.constant 6.400000e+01 : f32
    %ge3A_605 = vector.broadcast %ge3A_604 : f32 to vector<128x1xf32>
    %ge3A_606 = arith.cmpf oge, %broadcast_in_dim3A_603, %ge3A_605 : vector<128x1xf32>
    %select_n3A_607 = arith.select %ge3A_606, %or3A_593, %select_n3A_586 : vector<128x1xi1>, vector<128x1xi32>
    %scan3A_608 = arith.constant 29 : i32
    %sub3A_609 = arith.constant 31 : i32
    %sub3A_610 = arith.subi %sub3A_609, %scan3A_608 : i32
    %shift_left3A_611 = arith.constant 1 : i32
    %shift_left3A_612 = arith.shli %shift_left3A_611, %sub3A_610 : i32
    %or3A_613 = vector.broadcast %shift_left3A_612 : i32 to vector<128x1xi32>
    %or3A_614 = arith.ori %select_n3A_607, %or3A_613 : vector<128x1xi32>
    %xor3A_615 = arith.constant -2147483648 : i32
    %xor3A_616 = vector.broadcast %xor3A_615 : i32 to vector<128x1xi32>
    %xor3A_617 = arith.xori %or3A_614, %xor3A_616 : vector<128x1xi32>
    %ge3A_618 = vector.broadcast %xor3A_617 : vector<128x1xi32> to vector<128x8192xi32>
    %ge3A_619 = arith.cmpi sge, %xor3A, %ge3A_618 : vector<128x8192xi32>
    %convert_element_type3A_620 = arith.extui %ge3A_619 : vector<128x8192xi1> to vector<128x8192xi32>
    %convert_element_type3A_621 = arith.sitofp %convert_element_type3A_620 : vector<128x8192xi32> to vector<128x8192xf32>
    %reduce_sum3A_622 = arith.constant dense<0.000000e+00> : vector<128xf32>
    %reduce_sum3A_623 = vector.multi_reduction <add>, %convert_element_type3A_621, %reduce_sum3A_622 [1] : vector<128x8192xf32> to vector<128xf32>
    %broadcast_in_dim3A_624 = vector.shape_cast %reduce_sum3A_623 : vector<128xf32> to vector<128x1xf32>
    %ge3A_625 = arith.constant 6.400000e+01 : f32
    %ge3A_626 = vector.broadcast %ge3A_625 : f32 to vector<128x1xf32>
    %ge3A_627 = arith.cmpf oge, %broadcast_in_dim3A_624, %ge3A_626 : vector<128x1xf32>
    %select_n3A_628 = arith.select %ge3A_627, %or3A_614, %select_n3A_607 : vector<128x1xi1>, vector<128x1xi32>
    %scan3A_629 = arith.constant 30 : i32
    %sub3A_630 = arith.constant 31 : i32
    %sub3A_631 = arith.subi %sub3A_630, %scan3A_629 : i32
    %shift_left3A_632 = arith.constant 1 : i32
    %shift_left3A_633 = arith.shli %shift_left3A_632, %sub3A_631 : i32
    %or3A_634 = vector.broadcast %shift_left3A_633 : i32 to vector<128x1xi32>
    %or3A_635 = arith.ori %select_n3A_628, %or3A_634 : vector<128x1xi32>
    %xor3A_636 = arith.constant -2147483648 : i32
    %xor3A_637 = vector.broadcast %xor3A_636 : i32 to vector<128x1xi32>
    %xor3A_638 = arith.xori %or3A_635, %xor3A_637 : vector<128x1xi32>
    %ge3A_639 = vector.broadcast %xor3A_638 : vector<128x1xi32> to vector<128x8192xi32>
    %ge3A_640 = arith.cmpi sge, %xor3A, %ge3A_639 : vector<128x8192xi32>
    %convert_element_type3A_641 = arith.extui %ge3A_640 : vector<128x8192xi1> to vector<128x8192xi32>
    %convert_element_type3A_642 = arith.sitofp %convert_element_type3A_641 : vector<128x8192xi32> to vector<128x8192xf32>
    %reduce_sum3A_643 = arith.constant dense<0.000000e+00> : vector<128xf32>
    %reduce_sum3A_644 = vector.multi_reduction <add>, %convert_element_type3A_642, %reduce_sum3A_643 [1] : vector<128x8192xf32> to vector<128xf32>
    %broadcast_in_dim3A_645 = vector.shape_cast %reduce_sum3A_644 : vector<128xf32> to vector<128x1xf32>
    %ge3A_646 = arith.constant 6.400000e+01 : f32
    %ge3A_647 = vector.broadcast %ge3A_646 : f32 to vector<128x1xf32>
    %ge3A_648 = arith.cmpf oge, %broadcast_in_dim3A_645, %ge3A_647 : vector<128x1xf32>
    %select_n3A_649 = arith.select %ge3A_648, %or3A_635, %select_n3A_628 : vector<128x1xi1>, vector<128x1xi32>
    %scan3A_650 = arith.constant 31 : i32
    %sub3A_651 = arith.constant 31 : i32
    %sub3A_652 = arith.subi %sub3A_651, %scan3A_650 : i32
    %shift_left3A_653 = arith.constant 1 : i32
    %shift_left3A_654 = arith.shli %shift_left3A_653, %sub3A_652 : i32
    %or3A_655 = vector.broadcast %shift_left3A_654 : i32 to vector<128x1xi32>
    %or3A_656 = arith.ori %select_n3A_649, %or3A_655 : vector<128x1xi32>
    %xor3A_657 = arith.constant -2147483648 : i32
    %xor3A_658 = vector.broadcast %xor3A_657 : i32 to vector<128x1xi32>
    %xor3A_659 = arith.xori %or3A_656, %xor3A_658 : vector<128x1xi32>
    %ge3A_660 = vector.broadcast %xor3A_659 : vector<128x1xi32> to vector<128x8192xi32>
    %ge3A_661 = arith.cmpi sge, %xor3A, %ge3A_660 : vector<128x8192xi32>
    %convert_element_type3A_662 = arith.extui %ge3A_661 : vector<128x8192xi1> to vector<128x8192xi32>
    %convert_element_type3A_663 = arith.sitofp %convert_element_type3A_662 : vector<128x8192xi32> to vector<128x8192xf32>
    %reduce_sum3A_664 = arith.constant dense<0.000000e+00> : vector<128xf32>
    %reduce_sum3A_665 = vector.multi_reduction <add>, %convert_element_type3A_663, %reduce_sum3A_664 [1] : vector<128x8192xf32> to vector<128xf32>
    %broadcast_in_dim3A_666 = vector.shape_cast %reduce_sum3A_665 : vector<128xf32> to vector<128x1xf32>
    %ge3A_667 = arith.constant 6.400000e+01 : f32
    %ge3A_668 = vector.broadcast %ge3A_667 : f32 to vector<128x1xf32>
    %ge3A_669 = arith.cmpf oge, %broadcast_in_dim3A_666, %ge3A_668 : vector<128x1xf32>
    %select_n3A_670 = arith.select %ge3A_669, %or3A_656, %select_n3A_649 : vector<128x1xi1>, vector<128x1xi32>
    %scan3A_671 = arith.constant 32 : i32
    %xor3A_672 = arith.constant -2147483648 : i32
    %xor3A_673 = vector.broadcast %xor3A_672 : i32 to vector<128x1xi32>
    %xor3A_674 = arith.xori %select_n3A_670, %xor3A_673 : vector<128x1xi32>
    %ge3A_675 = vector.broadcast %xor3A_674 : vector<128x1xi32> to vector<128x8192xi32>
    %ge3A_676 = arith.cmpi sge, %xor3A, %ge3A_675 : vector<128x8192xi32>
    %jit3A = arith.constant 0.000000e+00 : f32
    %broadcast_in_dim3A_677 = vector.broadcast %jit3A : f32 to vector<128x8192xf32>
    %select_n3A_678 = arith.select %ge3A_676, %get3A_1, %broadcast_in_dim3A_677 : vector<128x8192xi1>, vector<128x8192xf32>
    %swap3A = arith.constant 0 : index
    %swap3A_679 = arith.constant 0 : index
    %swap3A_680 = vector.load %arg2[%swap3A, %swap3A_679] : memref<128x8192xf32, #tpu.memory_space<vmem>>, vector<128x8192xf32>
    tpu.vector_store %arg2[%swap3A, %swap3A_679], %select_n3A_678 {strides = array<i32>} : memref<128x8192xf32, #tpu.memory_space<vmem>>, vector<128x8192xf32>,
    return
  }
  func.func @transform_0(%arg0: i32) -> (i32, i32) {
    %c0_i32 = arith.constant 0 : i32
    %c0_i32_0 = arith.constant 0 : i32
    return %arg0, %c0_i32 : i32, i32
  }
  func.func @transform_1(%arg0: i32) -> (i32, i32) {
    %c0_i32 = arith.constant 0 : i32
    %c0_i32_0 = arith.constant 0 : i32
    return %arg0, %c0_i32 : i32, i32
  }
}

</mosaic_0001>

<sc_bundles>
// kernel: kernel.4.cloned.1.call-start
scs
__scs_entry_jumppad:
0x0: {  	(pc) =	sbr.rel $0x88, $3  }
0x1: {  	(tag) =	ssettag $0x0;
	lr =	simm.s32 $0x1  }
0x2: {  	[smem:$0x3FA0] =	sst lr;
	_ =	strace $0xD0000000  }
0x3: {  	_ = 	snop  }
0x4: {  	_ = 	snop  }
0x5: {  	_ = 	snop  }
0x6: {  	_ = 	snop  }
0x7: {  	_ = 	snop  }
__scs_overlays_trampoline_lowered:
0x8: {  	[smem:$0x3FAF] =	sst s0  }
0x9: {  	[smem:$0x3FB0] =	sst s1  }
0xa: {  	[smem:$0x3FB1] =	sst s2  }
0xb: {  	[smem:$0x3FB2] =	sst s3  }
0xc: {  	[smem:$0x3FB3] =	sst s4  }
0xd: {  	[smem:$0x3FB4] =	sst s5  }
0xe: {  	[smem:$0x3FB5] =	sst s6  }
0xf: {  	[smem:$0x3FB6] =	sst s7  }
0x10: {  	[smem:$0x3FB7] =	sst s8  }
0x11: {  	[smem:$0x3FB8] =	sst s9;
	s0 =	simm.s32 @!p0 $0x0  }
0x12: {  	s1 =	sld [smem:$0x3F9E];
	s0 =	simm.s32 @p0 $0x1  }
0x13: {  	[smem:$0x3FB9] =	sst s0;
	s0 =	simm.s32 @!p1 $0x0  }
0x14: {  	s2 =	sld [smem:$0x3F9D];
	s0 =	simm.s32 @p1 $0x1  }
0x15: {  	[smem:$0x3FBA] =	sst s0;
	s0 =	simm.s32 @!p2 $0x0  }
0x16: {  	s3 =	sld [smem:$0x3FDB];
	s0 =	simm.s32 @p2 $0x1  }
0x17: {  	s4 =	simm.s32 $0x1BF5;
	[smem:$0x3FBC] =	sst s0  }
0x18: {  	s0 =	sld [smem:$0x3F9F];
	_ =	swait.ge [sflag:s4], $0x0  }
0x19: {  	s7 =	sld [smem:$0x3FA0]  }
0x1a: {  	s8 =	sadd.s32 $0xFFFFE003, lr  }
0x1b: {  	s9 =	sadd.s32 $0xFFFFFEF7, lr;
	s5 =	simm.s32 $0xFFFFFFFF;
	p2 =	slt.u32 s8, $0xFFFFF086  }
0x1c: {  	p1 =	slt.u32 s9, $0xF7A;
	s5 =	simm.s32 @!p2 $0x0  }
0x1d: {  	s5 =	simm.s32 @p1 $0x1;
	p0 =	seq.s32 s7, s2  }
0x1e: {  	s7 =	smul.u32 @!p0 $0xF7A, s2;
	p2 =	seq.s32 @!p0 s5, $0x0  }
0x1f: {  	s9 =	smul.u32 $0xF7A, s1;
	s8 =	simm.s32 @!p0 $0x1BF5;
	p2 =	por !p2, p0  }
0x20: {  	[sflag:s8] =	ssyncset.s32 @!p0 $0xFFFFF086;
	s6 =	sadd.s32 @!p0 s3, s7;
	s7 =	simm.s32 @!p0 $0x108  }
0x21: {  	s3 =	sadd.s32 s3, s9;
	s6 =	sadd.s32 @!p0 $0x88, s6;
	s7 =	simm.s32 @p2 $0x1082  }
0x22: {  	[simem:s7], [sflag:s8] =	dma.local @!p0 [hbm:s6], $0xF7A  }
0x23: {  	s9 =	sor.u32 $0xD0000000, s2;
	s6 =	simm.s32 $0x108;
	_ =	swait.ge @!p0 [sflag:s8], $0x0  }
0x24: {  	s3 =	sadd.s32 $0x88, s3;
	s6 =	simm.s32 @!p1 $0x1082;
	[sflag:s4] =	ssyncset.s32 $0xFFFFF086  }
0x25: {  	[simem:s6], [sflag:s4] =	dma.local [hbm:s3], $0xF7A  }
0x26: {  	[smem:$0x3FA0] =	sst s1;
	(tag) =	ssettag s2;
	_ =	strace s9  }
0x27: {  	s1 =	sld [smem:$0x3FB0]  }
0x28: {  	s2 =	sld [smem:$0x3FB1]  }
0x29: {  	s4 =	sld [smem:$0x3FB3]  }
0x2a: {  	p0 =	seq.s32 s5, $0x0;
	s5 =	sld [smem:$0x3FB4]  }
0x2b: {  	s6 =	sld [smem:$0x3FB5]  }
0x2c: {  	s7 =	sld [smem:$0x3FB6]  }
0x2d: {  	s3 =	simm.s32 $0x108;
	s8 =	sld [smem:$0x3FB7]  }
0x2e: {  	s3 =	simm.s32 @!p0 $0x1082;
	s9 =	sld [smem:$0x3FB8]  }
0x2f: {  	lr =	sadd.s32 s0, s3;
	s0 =	sld [smem:$0x3FAF]  }
0x30: {  	s3 =	sld [smem:$0x3FB2]  }
0x31: {  	[smem:$0x3FBB] =	sst s10  }
0x32: {  	s10 =	sld [smem:$0x3FB9];
	_ =	sdelay $0x3  }
0x33: {  	p0 =	seq.s32 s10, $0x1;
	s10 =	sld [smem:$0x3FBB];
	_ =	sdelay $0x3  }
0x34: {  	[smem:$0x3FBB] =	sst s10  }
0x35: {  	s10 =	sld [smem:$0x3FBA];
	_ =	sdelay $0x3  }
0x36: {  	p1 =	seq.s32 s10, $0x1;
	s10 =	sld [smem:$0x3FBB];
	_ =	sdelay $0x3  }
0x37: {  	[smem:$0x3FBB] =	sst s10  }
0x38: {  	s10 =	sld [smem:$0x3FBC]  }
0x39: {  	_ = 	snop;
	(pc) =	sbr.ind lr, $3  }
0x3a: {  	_ = 	snop  }
0x3b: {  	_ = 	snop  }
0x3c: {  	p2 =	seq.s32 s10, $0x1;
	s10 =	sld [smem:$0x3FBB]  }
0x3d: {  	_ =	shalt  }
0x3e: {  	_ =	shalt  }
0x3f: {  	_ =	shalt  }
0x40: {  	_ =	shalt  }
0x41: {  	_ =	shalt  }
0x42: {  	_ =	shalt  }
0x43: {  	_ =	shalt  }
0x44: {  	_ =	shalt  }
0x45: {  	_ =	shalt  }
0x46: {  	_ =	shalt  }
0x47: {  	_ =	shalt  }
0x48: {  	_ =	shalt  }
0x49: {  	_ =	shalt  }
0x4a: {  	_ =	shalt  }
0x4b: {  	_ =	shalt  }
0x4c: {  	_ =	shalt  }
0x4d: {  	_ =	shalt  }
0x4e: {  	_ =	shalt  }
0x4f: {  	_ =	shalt  }
0x50: {  	_ =	shalt  }
0x51: {  	_ =	shalt  }
0x52: {  	_ =	shalt  }
0x53: {  	_ =	shalt  }
0x54: {  	_ =	shalt  }
0x55: {  	_ =	shalt  }
0x56: {  	_ =	shalt  }
0x57: {  	_ =	shalt  }
0x58: {  	_ =	shalt  }
0x59: {  	_ =	shalt  }
0x5a: {  	_ =	shalt  }
0x5b: {  	_ =	shalt  }
0x5c: {  	_ =	shalt  }
0x5d: {  	_ =	shalt  }
0x5e: {  	_ =	shalt  }
0x5f: {  	_ =	shalt  }
0x60: {  	_ =	shalt  }
0x61: {  	_ =	shalt  }
0x62: {  	_ =	shalt  }
0x63: {  	_ =	shalt  }
0x64: {  	_ =	shalt  }
0x65: {  	_ =	shalt  }
0x66: {  	_ =	shalt  }
0x67: {  	_ =	shalt  }
0x68: {  	_ =	shalt  }
0x69: {  	_ =	shalt  }
0x6a: {  	_ =	shalt  }
0x6b: {  	_ =	shalt  }
0x6c: {  	_ =	shalt  }
0x6d: {  	_ =	shalt  }
0x6e: {  	_ =	shalt  }
0x6f: {  	_ =	shalt  }
0x70: {  	_ =	shalt  }
0x71: {  	_ =	shalt  }
0x72: {  	_ =	shalt  }
0x73: {  	_ =	shalt  }
0x74: {  	_ =	shalt  }
0x75: {  	_ =	shalt  }
0x76: {  	_ =	shalt  }
0x77: {  	_ =	shalt  }
0x78: {  	_ =	shalt  }
0x79: {  	_ =	shalt  }
0x7a: {  	_ =	shalt  }
0x7b: {  	_ =	shalt  }
0x7c: {  	_ =	shalt  }
0x7d: {  	_ =	shalt  }
0x7e: {  	_ =	shalt  }
0x7f: {  	_ =	shalt  }
0x80: {  	_ =	shalt  }
0x81: {  	_ =	shalt  }
0x82: {  	_ =	shalt  }
0x83: {  	_ =	shalt  }
0x84: {  	_ =	shalt  }
0x85: {  	_ =	shalt  }
0x86: {  	_ =	shalt  }
0x87: {  	_ =	shalt  }
.Lfunc_end0:
.L_simem_size_0:
called_computation_lowered:
.L_overlay_start_0:
0x88: {  	s2 =	sld [smem:$0x3FD9]  }
0x89: {  	s3 =	sld [smem:$0x3FFE];
	_ =	sdelay $0x1  }
0x8a: {  	s1 =	srdreg.scid  }
0x8b: {  	s0 =	sand.u32 $0x1, s1  }
0x8c: {  	s17 =	sshll.u32 s0, $0xA;
	s2 =	sadd.s32 s3, s2  }
0x8d: {  	s2 =	sadd.s32 s2, s17  }
0x8e: {  	[smem:$0x3FC7] =	sst s2  }
0x8f: {  	_ = 	snop  }
0x90: {  	s2 =	sld [smem:$0x3FD0];
	(tm) =	ssettm $0x1  }
0x91: {  	s18 =	sld [smem:$0x3FFB];
	_ =	sdelay $0x3  }
0x92: {  	_ =	strace s18  }
0x93: {  	s3 =	sld [smem:$0x3FFC];
	_ =	sdelay $0x3  }
0x94: {  	_ =	strace s3  }
0x95: {  	s3 =	sld [smem:$0x3FFD];
	_ =	sdelay $0x3  }
0x96: {  	_ =	strace s3  }
0x97: {  	_ =	strace $0x8FFFFFFF  }
0x98: {  	s19 =	sld [smem:$0x3FDB];
	_ =	sdelay $0x1  }
0x99: {  	s4 =	simm.s32 $_scs_section_size  }
0x9a: {  	s5 =	simm.s32 $_size__tile_overlayer_lowered;
	s6 =	simm.s32 $_tile_overlayer_lowered  }
0x9b: {  	s22 =	simm.s32 $0x1BFF;
	s21 =	sshll.u32 s6, $0x1;
	s3 =	sadd.s32 s4, s19  }
0x9c: {  	s7 =	simm.s32 $0x0;
	s20 =	sshll.u32 s5, $0x1;
	s5 =	sadd.s32 s21, s3  }
0x9d: {  	[timem:s7], [sflag:s22] =	dma.local [hbm:s5], s20  }
0x9e: {  	_ =	swait.ge [sflag:s22], s20  }
0x9f: {  	s4 =	ssub.s32 $0x0, s20;
	[sflag:s22] =	ssyncset.done $0x0  }
0xa0: {  	[sflag:s22] =	ssyncadd.s32 s4;
	_ =	sdelay $0x1  }
0xa1: {  	s23 =	simm.s32 $0x1B8B  }
0xa2: {  	_ =	swait.ge [sflag:s23], $0x1  }
0xa3: {  	[sflag:s23] =	ssyncset.done $0x0  }
0xa4: {  	s25 =	simm.s32 $0x1B8E;
	s24 =	sld [smem:$0x3FFE];
	[sflag:s23] =	ssyncadd.s32 $0xFFFFFFFF  }
0xa5: {  	s26 =	simm.s32 $execute0_lowered;
	[smem:$0x3FD2] =	sst s25  }
0xa6: {  	s5 =	sshll.u32 s26, $0x1;
	_ =	strace $0x80000046;
	[dreg:$0x1] =	wrdreg $0xFFFFFFFF  }
0xa7: {  	s28 =	simm.s32 $_size_execute0_lowered;
	s3 =	sadd.s32 s3, s5;
	[dreg:$0x0] =	wrdreg $0x0  }
0xa8: {  	s5 =	sshll.u32 s28, $0x1;
	[dreg:$0x2] =	wrdreg s3  }
0xa9: {  	[dreg:$0x3] =	wrdreg s5  }
0xaa: {  	[dreg:$0x4] =	wrdreg $0xC0  }
0xab: {  	_ =	task [dreg:s7], $0x5FFFF  }
0xac: {  	[dreg:$0x1] =	wrdreg $0xFFFFFFFF  }
0xad: {  	[dreg:$0x0] =	wrdreg $0x60  }
0xae: {  	[dreg:$0x2] =	wrdreg s2  }
0xaf: {  	[dreg:$0x3] =	wrdreg s24  }
0xb0: {  	[dreg:$0x4] =	wrdreg $0x9  }
0xb1: {  	_ =	task.clear_ibuf [dreg:s7], $0x5FFFF;
	_ =	strace $0x90000046  }
0xb2: {  	s29 =	simm.s32 $0x9;
	_ =	strace $0x80000048  }
0xb3: {  	_ =	swait.ge [sflag:s29], $0x1  }
0xb4: {  	[sflag:s29] =	ssyncadd.s32 $0xFFFFFFFF  }
0xb5: {  	_ =	strace $0x90000048  }
0xb6: {  	_ =	sfence  }
0xb7: {  	s30 =	sld [smem:$0x0];
	_ =	sdelay $0x2  }
0xb8: {  	s31 =	sshll.u32 s1, $0xD;
	s1 =	sshrl.u32 s1, $0x2  }
0xb9: {  	s3 =	sand.u32 $0x4000, s31;
	s1 =	sadd.s32 s1, s30  }
0xba: {  	s0 =	sor.u32 s3, s0;
	s1 =	sshll.u32 s1, $0x11  }
0xbb: {  	s0 =	sor.u32 s1, s0  }
0xbc: {  	s0 =	sadd.s32 $0x8F2B, s0  }
0xbd: {  	[sflag:s0] =	ssyncadd.remote.s32 $0x1  }
0xbe: {  	_ =	sfence.sel $0xFFFF  }
0xbf: {  	[dreg:$0x0] =	wrdreg $0xFFFFFFFF;
	(pc) =	sbr.abs _section_cstart, $3  }
0xc0: {  	[dreg:$0x1] =	wrdreg $0xFFFFFFFF  }
0xc1: {  	_ =	task.clear_ibuf [dreg:s7], $0x2FFFF;
	_ =	strace $0x9FFFFFFF  }
0xc2: {  	(tm) =	ssettm $0x7FFFFFFF  }
0xc3: {  	_ =	shalt  }
tec
execute0_lowered:
.L_overlay_start_1:
0x0: {  	(tag) =	ssettag $0x1  }
0x1: {  	s0 =	srdreg.scid;
	s2 =	rddreg [dreg:$0x0]  }
0x2: {  	s1 =	stileid.u32;
	s5 =	rddreg [dreg:$0x1]  }
0x3: {  	s3 =	simm.s32 $0x0;
	s10 =	simm.s32 $0x80;
	s11 =	simm.s32 $0x400  }
0x4: {  	s12 =	simm.s32 $0x2000;
	s13 =	simm.s32 $0x1;
	s14 =	simm.s32 $0x8000  }
0x5: {  	s15 =	simm.s32 $0x9000;
	s0 =	sand.u32 $0x1, s0;
	s1 =	sshll.u32 s1, $0x1  }
0x6: {  	s16 =	simm.s32 $0x4000;
	s17 =	simm.s32 $0x2;
	s1 =	sor.u32 s0, s1  }
0x7: {  	s18 =	simm.s32 $0x6000;
	s19 =	simm.s32 $0x3;
	s4 =	smul.u32 $0x88000, s1  }
0x8: {  	s20 =	simm.s32 $0x4;
	s7 =	sshll.u32 s0, $0x9;
	s0 =	ssub.s32 $0x2, s0  }
0x9: {  	s21 =	simm.s32 $0x800000;
	s31 =	sshrl.u32 s0, $0x1;
	s6 =	sand.u32 $0x1FF0000, s4  }
0xa: {  	[smem:$0x7FF] =	sst s3;
	s0 =	ssub.s32 s0, s31;
	s30 =	sor.u32 s7, s6  }
0xb: {  	s4 =	smul.u32 $0x44, s1;
	s0 =	smax.u32 s0, $0x1;
	s1 =	sshrl.u32 s30, $0x3  }
0xc: {  	_ =	strace $0x80000047;
	[dreg:$0x5] =	wrdreg s0;
	s1 =	sadd.s32 s2, s1  }
0xd: {  	v0 =	vlaneseq.u32;
	s22 =	simm.s32 $0x0;
	[dreg:$0x3] =	wrdreg s1;
	s1 =	sadd.s32 $0x10, s1  }
0xe: {  	v1 =	vimm.s32 $0x0;
	v3 =	vimm.s32 $0x1;
	s5 =	sadd.s32 $0x400, s5;
	v2 =	vor.u32 $0x800, v0;
	s6 =	sadd.s32 $0x43, s4;
	[dreg:$0x4] =	wrdreg s1  }
.LBB2_1:
0xf: {  	s0 =	rddreg [dreg:$0x3]  }
0x10: {  	[tilespmem:s3], [sflag:$0x1] =	stream.strided.gather [hbm4b:s0+s10], $0x2000, s11, s10, $0x38;
	[tilespmem:$0xB080] =	vst v63  }
0x11: {  	s31 =	rddreg [dreg:$0x4];
	s0 =	simm.s32 $0x8040  }
0x12: {  	[tilespmem:s12], [sflag:$0x2] =	stream.strided.gather [hbm4b:s31+s10], $0x2000, s11, s10, $0x38;
	[tilespmem:$0xB080] =	vst v63  }
0x13: {  	[tilespmem:s0+$0xFFFFFFC0] =	vst v1  }
0x14: {  	[tilespmem:s0+$0x30] =	vst v1  }
0x15: {  	[tilespmem:s0+$0x20] =	vst v1  }
0x16: {  	[tilespmem:s0+$0x10] =	vst v1  }
0x17: {  	[tilespmem:s0+$0x0] =	vst v1  }
0x18: {  	[tilespmem:s0+$0xFFFFFFF0] =	vst v1  }
0x19: {  	s1 =	simm.s32 $0x0;
	[tilespmem:s0+$0xFFFFFFE0] =	vst v1  }
.LBB2_2:
0x1a: {  	s1 =	sadd.s32 $0x8, s1;
	[tilespmem:s0+$0xFFFFFFD0] =	vst v1;
	s0 =	sadd.s32 $0x80, s0  }
0x1b: {  	[tilespmem:s0+$0xFFFFFFC0] =	vst v1;
	p0 =	slt.u32 s1, $0xF8  }
0x1c: {  	[tilespmem:s0+$0x30] =	vst v1  }
.Ltmp0:
0x1d: {  	[tilespmem:s0+$0x20] =	vst v1;
	(pc) =	sbr.rel @p0 .LBB2_2-.Ltmp0, $4  }
0x1e: {  	[tilespmem:s0+$0x10] =	vst v1  }
0x1f: {  	[tilespmem:s0+$0x0] =	vst v1  }
0x20: {  	[tilespmem:s0+$0xFFFFFFF0] =	vst v1  }
0x21: {  	[tilespmem:s0+$0xFFFFFFE0] =	vst v1  }
0x22: {  	[tilespmem:s0+$0xFFFFFFD0] =	vst v1;
	s23 =	simm.s32 $0x0  }
.LBB2_4:
0x23: {  	_ =	swait.ge [sflag:s13], $0x2000  }
0x24: {  	[sflag:s13] =	ssyncset.done $0x0  }
0x25: {  	s0 =	simm.s32 $0x40;
	[sflag:s13] =	ssyncadd.s32 $0xFFFFE000  }
0x26: {  	v4 =	vld [tilespmem:s0+$0x30]  }
0x27: {  	v5 =	vld [tilespmem:s0+$0xFFFFFFD0]  }
0x28: {  	v8 =	vld [tilespmem:s0+$0x20]  }
0x29: {  	v10 =	vld [tilespmem:s0+$0xFFFFFFF0]  }
0x2a: {  	v13 =	vld [tilespmem:s0+$0xFFFFFFE0]  }
0x2b: {  	v15 =	vld [tilespmem:s0+$0xFFFFFFC0]  }
0x2c: {  	v11 =	vld [tilespmem:s0+$0x10]  }
0x2d: {  	v18 =	vimm.s32 $0x80000000;
	v17 =	vimm.s32 $0x0  }
0x2e: {  	v7 =	vshll.u32 v17, $0x4;
	v6 =	vshra.s32 v4, $0x1F;
	v9 =	vshra.s32 v5, $0x1F  }
0x2f: {  	v12 =	vshra.s32 v8, $0x1F;
	v14 =	vshra.s32 v10, $0x1F;
	v20 =	vshra.s32 v13, $0x1F  }
0x30: {  	v22 =	vshra.s32 v15, $0x1F;
	v6 =	vand.u32 $0x7FFFFFFF, v6;
	v9 =	vand.u32 $0x7FFFFFFF, v9  }
0x31: {  	v19 =	vand.u32 $0x7FFFFFFF, v12;
	v12 =	vshra.s32 v11, $0x1F;
	v14 =	vand.u32 $0x7FFFFFFF, v14  }
0x32: {  	v20 =	vand.u32 $0x7FFFFFFF, v20;
	v22 =	vand.u32 $0x7FFFFFFF, v22;
	v5 =	vxor.u32 v5, v9  }
0x33: {  	v16 =	vand.u32 $0x7FFFFFFF, v12;
	v6 =	vxor.u32 v4, v6;
	v10 =	vxor.u32 v10, v14  }
0x34: {  	v14 =	vxor.u32 v13, v20;
	v8 =	vxor.u32 v8, v19;
	v9 =	vshrl.u32 v5, $0x18  }
0x35: {  	v12 =	vshrl.u32 v6, $0x18;
	v20 =	vshrl.u32 v10, $0x18;
	v24 =	vshrl.u32 v14, $0x18  }
0x36: {  	v13 =	vxor.u32 v11, v16;
	v11 =	vxor.u32 v15, v22;
	v27 =	vshrl.u32 v8, $0x18  }
0x37: {  	v4 =	vld [tilespmem:s0+$0x0];
	vm1 =	veq.s32 v9, $0x40;
	vm3 =	veq.s32 v12, $0x40;
	vm4 =	veq.s32 v20, $0x40  }
0x38: {  	vm5 =	veq.s32 v24, $0x40;
	v16 =	vshrl.u32 v11, $0x18;
	vm0 =	veq.s32 v27, $0x40  }
0x39: {  	vm8 =	vgt.s32 v18, v11;
	v24 =	vshll.u32 v24, $0x4;
	v21 =	vsel vm1, $0x1, v1  }
0x3a: {  	v22 =	vsel vm5, $0x1, v1;
	v25 =	vsel vm4, $0x1, v1;
	vm2 =	veq.s32 v16, $0x40  }
0x3b: {  	v18 =	vsel vm8, v18, v11;
	v28 =	vsel vm0, $0x1, v1;
	v24 =	vxor.u32 v2, v24  }
0x3c: {  	v30 =	vsel vm3, $0x1, v1;
	vm8 =	vgt.s32 v18, v5;
	v23 =	vshra.s32 v4, $0x1F  }
0x3d: {  	v19 =	vsel vm2, $0x1, v1;
	v18 =	vsel vm8, v18, v5;
	v15 =	vand.u32 $0x7FFFFFFF, v23  }
0x3e: {  	vm8 =	vgt.s32 v18, v14;
	v15 =	vxor.u32 v4, v15;
	v4 =	vshll.u32 v20, $0x4  }
0x3f: {  	v20 =	vadd.s32 v19, v17;
	v19 =	vshrl.u32 v13, $0x18;
	v4 =	vxor.u32 v2, v4  }
0x40: {  	v17 =	vshrl.u32 v15, $0x18;
	vm7 =	veq.s32 v19, $0x40;
	v21 =	vadd.s32 v21, v20  }
0x41: {  	v19 =	vshll.u32 v19, $0x4;
	vm6 =	veq.s32 v17, $0x40;
	v23 =	vadd.s32 v22, v21  }
0x42: {  	v19 =	vxor.u32 v2, v19;
	v22 =	vsel vm6, $0x1, v1;
	v25 =	vadd.s32 v25, v23  }
0x43: {  	v20 =	vshll.u32 v20, $0x4;
	v26 =	vsel vm7, $0x1, v1;
	v29 =	vadd.s32 v22, v25  }
0x44: {  	[tilespmem:v24+s14+$0x0] =	vst.idx.add.s32.msk $0xffff, v3;
	v24 =	vshll.u32 v27, $0x4;
	v22 =	vadd.s32 v26, v29;
	v26 =	vsel vm8, v18, v14  }
0x45: {  	v28 =	vadd.s32 v28, v22;
	v18 =	vshll.u32 v22, $0x4;
	vm8 =	vgt.s32 v26, v10  }
0x46: {  	[tilespmem:v4+s14+$0x0] =	vst.idx.add.s32.msk $0xffff, v3;
	v4 =	vadd.s32 v30, v28;
	v22 =	vshll.u32 v28, $0x4;
	v63 =	vsel vm8, v26, v10  }
0x47: {  	[tilespmem:v19+s14+$0x0] =	vst.idx.add.s32.msk $0xffff, v3;
	v19 =	vshll.u32 v25, $0x4;
	v25 =	vshll.u32 v29, $0x4;
	vm8 =	vgt.s32 v63, v15  }
0x48: {  	s24 =	simm.s32 $0x0;
	s25 =	simm.s32 $0xC0;
	v19 =	vor.u32 v0, v19;
	v26 =	vor.u32 v0, v25;
	v25 =	vsel vm8, v63, v15  }
.LBB2_5:
0x49: {  	v21 =	vshll.u32 v21, $0x4;
	v23 =	vshll.u32 v23, $0x4  }
0x4a: {  	v27 =	vld [tilespmem:s25+$0x30];
	s24 =	sadd.s32 $0x8, s24;
	v17 =	vshll.u32 v17, $0x4;
	vm8 =	vmmov vm1;
	vm9 =	vmmov vm3  }
0x4b: {  	v16 =	vshll.u32 v16, $0x4;
	v28 =	vld [tilespmem:s25+$0x20];
	p0 =	slt.u32 s24, $0x1F8;
	v21 =	vor.u32 v0, v21;
	v23 =	vor.u32 v0, v23  }
0x4c: {  	v12 =	vshll.u32 v12, $0x4;
	v16 =	vxor.u32 v2, v16;
	v17 =	vxor.u32 v2, v17;
	v29 =	vld [tilespmem:s25+$0xFFFFFFD0]  }
0x4d: {  	v9 =	vshll.u32 v9, $0x4;
	v30 =	vld [tilespmem:s25+$0x10];
	[tilespmem:v26+s15+$0x0] =	vst.idx.msk vm7, v13;
	v26 =	vxor.u32 v2, v12  }
0x4e: {  	v32 =	vor.u32 v0, v7;
	v7 =	vshll.u32 v4, $0x4;
	v33 =	vxor.u32 v2, v9;
	v31 =	vld [tilespmem:s25+$0xFFFFFFE0]  }
0x4f: {  	v18 =	vor.u32 v0, v18;
	v22 =	vor.u32 v0, v22;
	v34 =	vld [tilespmem:s25+$0x0];
	v9 =	vshra.s32 v27, $0x1F  }
0x50: {  	vm1 =	vgt.s32 v25, v13;
	v35 =	vld [tilespmem:s25+$0xFFFFFFF0];
	v12 =	vshra.s32 v28, $0x1F;
	v9 =	vand.u32 $0x7FFFFFFF, v9;
	[tilespmem:v21+s15+$0x0] =	vst.idx.msk vm5, v14  }
0x51: {  	v14 =	vshra.s32 v29, $0x1F;
	v21 =	vand.u32 $0x7FFFFFFF, v12;
	[tilespmem:v23+s15+$0x0] =	vst.idx.msk vm4, v10;
	v23 =	vxor.u32 v2, v24  }
0x52: {  	v20 =	vor.u32 v0, v20;
	v10 =	vand.u32 $0x7FFFFFFF, v14;
	v12 =	vshra.s32 v30, $0x1F;
	[tilespmem:v17+s14+$0x0] =	vst.idx.add.s32.msk $0xffff, v3  }
0x53: {  	v27 =	vxor.u32 v27, v9;
	v17 =	vld [tilespmem:s25+$0xFFFFFFC0];
	v24 =	vxor.u32 v29, v10;
	v29 =	vand.u32 $0x7FFFFFFF, v12;
	[tilespmem:v19+s15+$0x0] =	vst.idx.msk vm6, v15  }
0x54: {  	v12 =	vshrl.u32 v27, $0x18;
	v10 =	vsel vm1, v25, v13;
	v9 =	vshrl.u32 v24, $0x18;
	[tilespmem:v16+s14+$0x0] =	vst.idx.add.s32.msk $0xffff, v3  }
0x55: {  	vm3 =	veq.s32 v12, $0x40;
	vm1 =	veq.s32 v9, $0x40;
	[tilespmem:v32+s15+$0x0] =	vst.idx.msk vm2, v11;
	vm2 =	vgt.s32 v10, v8  }
0x56: {  	v11 =	vshra.s32 v35, $0x1F;
	v19 =	vsel vm1, $0x1, v1;
	v13 =	vsel vm2, v10, v8;
	[tilespmem:v26+s14+$0x0] =	vst.idx.add.s32.msk $0xffff, v3  }
0x57: {  	v10 =	vshra.s32 v31, $0x1F;
	v11 =	vand.u32 $0x7FFFFFFF, v11;
	[tilespmem:v22+s15+$0x0] =	vst.idx.msk vm9, v6;
	vm2 =	vgt.s32 v13, v6  }
0x58: {  	v14 =	vand.u32 $0x7FFFFFFF, v10;
	v10 =	vxor.u32 v35, v11;
	[tilespmem:v23+s14+$0x0] =	vst.idx.add.s32.msk $0xffff, v3;
	v22 =	vsel vm2, v13, v6  }
0x59: {  	v11 =	vshra.s32 v17, $0x1F;
	v14 =	vxor.u32 v31, v14;
	v23 =	vshrl.u32 v10, $0x18;
	v6 =	vmovc v27;
	[tilespmem:v33+s14+$0x0] =	vst.idx.add.s32.msk $0xffff, v3  }
0x5a: {  	v11 =	vand.u32 $0x7FFFFFFF, v11;
	v25 =	vshrl.u32 v14, $0x18;
	vm4 =	veq.s32 v23, $0x40;
	[tilespmem:v18+s15+$0x0] =	vst.idx.msk vm0, v8  }
0x5b: {  	v13 =	vxor.u32 v30, v29;
	vm5 =	veq.s32 v25, $0x40;
	v8 =	vshra.s32 v34, $0x1F;
	[tilespmem:v20+s15+$0x0] =	vst.idx.msk vm8, v5;
	v5 =	vmovc v24  }
0x5c: {  	v11 =	vxor.u32 v17, v11;
	v18 =	vsel vm5, $0x1, v1;
	v8 =	vand.u32 $0x7FFFFFFF, v8  }
0x5d: {  	v16 =	vshrl.u32 v11, $0x18;
	v20 =	vsel vm4, $0x1, v1;
	v15 =	vxor.u32 v34, v8  }
0x5e: {  	v17 =	vshll.u32 v23, $0x4;
	vm2 =	veq.s32 v16, $0x40;
	v8 =	vxor.u32 v28, v21  }
0x5f: {  	v24 =	vxor.u32 v2, v17;
	v21 =	vsel vm2, $0x1, v1;
	v27 =	vshrl.u32 v8, $0x18  }
0x60: {  	v17 =	vshrl.u32 v15, $0x18;
	v28 =	vadd.s32 v21, v4;
	v4 =	vshrl.u32 v13, $0x18  }
0x61: {  	vm6 =	veq.s32 v17, $0x40;
	vm0 =	veq.s32 v27, $0x40;
	vm7 =	veq.s32 v4, $0x40  }
0x62: {  	v29 =	vsel vm3, $0x1, v1;
	v4 =	vshll.u32 v4, $0x4;
	v26 =	vsel vm7, $0x1, v1  }
0x63: {  	vm8 =	vgt.s32 v22, v11;
	v21 =	vadd.s32 v19, v28;
	v4 =	vxor.u32 v2, v4  }
0x64: {  	v19 =	vsel vm8, v22, v11;
	v23 =	vadd.s32 v18, v21;
	v18 =	vsel vm6, $0x1, v1  }
0x65: {  	v22 =	vsel vm0, $0x1, v1;
	vm8 =	vgt.s32 v19, v5;
	v20 =	vadd.s32 v20, v23;
	[tilespmem:v24+s14+$0x0] =	vst.idx.add.s32.msk $0xffff, v3  }
0x66: {  	v19 =	vsel vm8, v19, v5;
	v24 =	vshll.u32 v25, $0x4;
	v25 =	vadd.s32 v18, v20  }
0x67: {  	vm8 =	vgt.s32 v19, v14;
	v24 =	vxor.u32 v2, v24;
	v26 =	vadd.s32 v26, v25  }
.Ltmp1:
0x68: {  	v19 =	vsel vm8, v19, v14;
	v18 =	vshll.u32 v26, $0x4;
	[tilespmem:v4+s14+$0x0] =	vst.idx.add.s32.msk $0xffff, v3;
	v4 =	vadd.s32 v22, v26;
	(pc) =	sbr.rel @p0 .LBB2_5-.Ltmp1, $4  }
0x69: {  	vm8 =	vgt.s32 v19, v10;
	v22 =	vshll.u32 v4, $0x4;
	v4 =	vadd.s32 v29, v4  }
0x6a: {  	v29 =	vsel vm8, v19, v10;
	v19 =	vshll.u32 v20, $0x4;
	v20 =	vshll.u32 v25, $0x4  }
0x6b: {  	v19 =	vor.u32 v0, v19;
	vm8 =	vgt.s32 v29, v15;
	v26 =	vor.u32 v0, v20  }
0x6c: {  	s25 =	sadd.s32 $0x80, s25;
	v20 =	vshll.u32 v28, $0x4;
	v25 =	vsel vm8, v29, v15;
	[tilespmem:v24+s14+$0x0] =	vst.idx.add.s32.msk $0xffff, v3;
	v24 =	vshll.u32 v27, $0x4  }
0x6d: {  	vm8 =	vgt.s32 v25, v13  }
0x6e: {  	v25 =	vsel vm8, v25, v13  }
0x6f: {  	vm8 =	vgt.s32 v25, v8  }
0x70: {  	v25 =	vsel vm8, v25, v8  }
0x71: {  	vm8 =	vgt.s32 v25, v6  }
0x72: {  	v25 =	vsel vm8, v25, v6  }
0x73: {  	v25 =	vxor.u32 $0x80000000, v25  }
0x74: {  	(xrf0) =	vmax.scan.msk.u32 $0xffff, v25;
	_ =	sdelay $0x5  }
0x75: {  	v25, _, _ =	vpop (xrf0)  }
0x76: {  	(v2sf) =	vpush v25, $0xF  }
0x77: {  	v21 =	vshll.u32 v21, $0x4;
	v62 =	vxor.u32 v2, v24  }
0x78: {  	v23 =	vshll.u32 v23, $0x4;
	v21 =	vor.u32 v0, v21  }
0x79: {  	v17 =	vshll.u32 v17, $0x4;
	v23 =	vor.u32 v0, v23  }
0x7a: {  	v16 =	vshll.u32 v16, $0x4;
	v17 =	vxor.u32 v2, v17  }
0x7b: {  	[tilespmem:v26+s15+$0x0] =	vst.idx.msk vm7, v13;
	v12 =	vshll.u32 v12, $0x4;
	v16 =	vxor.u32 v2, v16  }
0x7c: {  	v12 =	vxor.u32 v2, v12;
	[tilespmem:v62+s14+$0x0] =	vst.idx.add.s32.msk $0xffff, v3  }
0x7d: {  	v7 =	vor.u32 v0, v7;
	v9 =	vshll.u32 v9, $0x4;
	[tilespmem:v21+s15+$0x0] =	vst.idx.msk vm5, v14  }
0x7e: {  	v9 =	vxor.u32 v2, v9;
	[tilespmem:v23+s15+$0x0] =	vst.idx.msk vm4, v10  }
0x7f: {  	v63 =	vor.u32 v0, v18;
	[tilespmem:v17+s14+$0x0] =	vst.idx.add.s32.msk $0xffff, v3  }
0x80: {  	vm3 =	vmmov vm3;
	[tilespmem:v16+s14+$0x0] =	vst.idx.add.s32.msk $0xffff, v3  }
0x81: {  	v61 =	vor.u32 v0, v22;
	vm1 =	vmmov vm1;
	[tilespmem:v12+s14+$0x0] =	vst.idx.add.s32.msk $0xffff, v3  }
0x82: {  	[tilespmem:v7+s15+$0x0] =	vst.idx.msk vm2, v11;
	v7 =	vor.u32 v0, v20  }
0x83: {  	[tilespmem:v9+s14+$0x0] =	vst.idx.add.s32.msk $0xffff, v3  }
0x84: {  	[tilespmem:v63+s15+$0x0] =	vst.idx.msk vm0, v8  }
0x85: {  	[tilespmem:v19+s15+$0x0] =	vst.idx.msk vm6, v15;
	s1 =	spop (v2sf)  }
0x86: {  	[tilespmem:v61+s15+$0x0] =	vst.idx.msk vm3, v6;
	s0 =	sshrl.u32 s1, $0x14  }
0x87: {  	[tilespmem:v7+s15+$0x0] =	vst.idx.msk vm1, v5;
	s0 =	sand.u32 $0xFF0, s0  }
0x88: {  	v5 =	vld [tilespmem:s0+$0x8000];
	_ =	sdelay $0x4  }
0x89: {  	(xrf0) =	vadd.scan.msk.s32 $0xffff, v5;
	_ =	sdelay $0x5  }
0x8a: {  	v5, _, _ =	vpop (xrf0)  }
0x8b: {  	(v2sf) =	vpush v5, $0xF;
	_ =	sdelay $0xe  }
0x8c: {  	s0 =	spop (v2sf)  }
0x8d: {  	p0 =	sgt.s32 s0, $0x3F  }
.Ltmp2:
0x8e: {  	_ = 	snop;
	(pc) =	sbr.rel @p0 .LBB2_10-.Ltmp2, $2  }
0x8f: {  	_ =	sdelay $0x2  }
0x90: {  	s24 =	simm.s32 $0x40;
	s25 =	sshrl.u32 s1, $0x18  }
0x91: {  	s1 =	sshll.u32 s25, $0x4  }
0x92: {  	s1 =	sadd.s32 $0x7FF0, s1  }
.LBB2_8:
0x93: {  	v5 =	vld [tilespmem:s1+$0x0];
	_ =	sdelay $0x4  }
0x94: {  	(xrf0) =	vadd.scan.msk.s32 $0xffff, v5;
	_ =	sdelay $0x5  }
0x95: {  	v5, _, _ =	vpop (xrf0)  }
0x96: {  	(v2sf) =	vpush v5, $0xF;
	_ =	sdelay $0xe  }
0x97: {  	s8 =	smov.u32 s0;
	s31 =	spop (v2sf)  }
0x98: {  	s0 =	sadd.s32 s8, s31  }
0x99: {  	p0 =	slt.s32 s0, $0x40  }
.Ltmp3:
0x9a: {  	_ = 	snop;
	(pc) =	sbr.rel @p0 .LBB2_8-.Ltmp3, $2  }
0x9b: {  	_ =	sdelay $0x2  }
0x9c: {  	s25 =	sadd.s32 $0xFFFFFFFF, s25;
	s1 =	sadd.s32 $0xFFFFFFF0, s1  }
0x9d: {  	s24 =	ssub.s32 $0x40, s8  }
.LBB2_10:
0x9e: {  	p0 =	seq.s32 s25, $0xC0  }
.Ltmp4:
0x9f: {  	_ = 	snop;
	(pc) =	sbr.rel @p0 .LBB2_14-.Ltmp4, $1  }
0xa0: {  	_ =	sdelay $0x3  }
0xa1: {  	s0 =	simm.s32 $0x40  }
0xa2: {  	v4 =	vld [tilespmem:s0+$0x30]  }
0xa3: {  	v5 =	vld [tilespmem:s0+$0x20]  }
0xa4: {  	v6 =	vld [tilespmem:s0+$0x10]  }
0xa5: {  	v9 =	vld [tilespmem:s0+$0x0]  }
0xa6: {  	v7 =	vld [tilespmem:s0+$0xFFFFFFF0]  }
0xa7: {  	v13 =	vld [tilespmem:s0+$0xFFFFFFE0]  }
0xa8: {  	v14 =	vld [tilespmem:s0+$0xFFFFFFD0]  }
0xa9: {  	v17 =	vimm.s32 $0x0;
	v15 =	vld [tilespmem:s0+$0xFFFFFFC0]  }
0xaa: {  	v10 =	vshll.u32 v17, $0x4  }
0xab: {  	v8 =	vmov s25;
	v12 =	vor.u32 v0, v10;
	v10 =	vshra.s32 v4, $0x1F  }
0xac: {  	v11 =	vshra.s32 v9, $0x1F;
	v16 =	vshra.s32 v6, $0x1F;
	v18 =	vshra.s32 v5, $0x1F  }
0xad: {  	v19 =	vshra.s32 v14, $0x1F;
	v20 =	vshra.s32 v13, $0x1F;
	v21 =	vshra.s32 v7, $0x1F  }
0xae: {  	v22 =	vshra.s32 v15, $0x1F;
	v18 =	vand.u32 $0x7FFFFFFF, v18;
	v23 =	vand.u32 $0x7FFFFFFF, v10  }
0xaf: {  	v21 =	vand.u32 $0x7FFFFFFF, v21;
	v24 =	vand.u32 $0x7FFFFFFF, v11;
	v10 =	vand.u32 $0x7FFFFFFF, v16  }
0xb0: {  	v16 =	vand.u32 $0x7FFFFFFF, v22;
	v19 =	vand.u32 $0x7FFFFFFF, v19;
	v20 =	vand.u32 $0x7FFFFFFF, v20  }
0xb1: {  	v6 =	vxor.u32 v6, v10;
	v10 =	vxor.u32 v5, v18;
	v11 =	vxor.u32 v4, v23  }
0xb2: {  	v4 =	vxor.u32 v13, v20;
	v7 =	vxor.u32 v7, v21;
	v9 =	vxor.u32 v9, v24  }
0xb3: {  	v13 =	vxor.u32 v15, v16;
	v5 =	vxor.u32 v14, v19;
	v14 =	vshrl.u32 v11, $0x18  }
0xb4: {  	v18 =	vshrl.u32 v9, $0x18;
	v19 =	vshrl.u32 v6, $0x18;
	v15 =	vshrl.u32 v10, $0x18  }
0xb5: {  	v20 =	vshrl.u32 v5, $0x18;
	v21 =	vshrl.u32 v4, $0x18;
	v22 =	vshrl.u32 v7, $0x18  }
0xb6: {  	v23 =	vshrl.u32 v13, $0x18;
	v16 =	vxor.u32 v8, v15;
	v15 =	vxor.u32 v8, v14  }
0xb7: {  	v14 =	vxor.u32 v8, v23;
	v23 =	vxor.u32 v8, v18;
	v19 =	vxor.u32 v8, v19  }
0xb8: {  	v18 =	vxor.u32 v8, v22;
	vm4 =	veq.s32 v14, $0x80;
	v14 =	vxor.u32 v8, v20  }
0xb9: {  	v21 =	vxor.u32 v8, v21;
	v20 =	vsel vm4, $0x1, v1;
	vm0 =	veq.s32 v14, $0x80  }
0xba: {  	vm1 =	veq.s32 v21, $0x80;
	v14 =	vadd.s32 v20, v17;
	v17 =	vsel vm0, $0x1, v1  }
0xbb: {  	vm2 =	veq.s32 v18, $0x80;
	v20 =	vsel vm1, $0x1, v1;
	v17 =	vadd.s32 v17, v14  }
0xbc: {  	s26 =	simm.s32 $0x0;
	s28 =	simm.s32 $0xC0;
	vm3 =	veq.s32 v23, $0x80;
	v18 =	vadd.s32 v20, v17;
	v20 =	vsel vm2, $0x1, v1  }
.LBB2_12:
0xbd: {  	v21 =	vld [tilespmem:s28+$0x30];
	v20 =	vadd.s32 v20, v18;
	v22 =	vsel vm3, $0x1, v1;
	vm5 =	veq.s32 v19, $0x80  }
0xbe: {  	v19 =	vld [tilespmem:s28+$0x20];
	[tilespmem:v12+s15+$0x0] =	vst.idx.msk vm4, v13;
	v12 =	vadd.s32 v22, v20;
	v13 =	vsel vm5, $0x1, v1;
	vm4 =	veq.s32 v16, $0x80  }
0xbf: {  	vm6 =	veq.s32 v15, $0x80;
	v16 =	vld [tilespmem:s28+$0x10];
	v13 =	vadd.s32 v13, v12;
	v22 =	vsel vm4, $0x1, v1  }
0xc0: {  	v15 =	vld [tilespmem:s28+$0x0];
	v23 =	vshll.u32 v13, $0x4;
	v13 =	vadd.s32 v22, v13;
	v22 =	vsel vm6, $0x1, v1  }
0xc1: {  	v12 =	vshll.u32 v12, $0x4;
	v24 =	vld [tilespmem:s28+$0xFFFFFFF0];
	v25 =	vshll.u32 v13, $0x4;
	v22 =	vadd.s32 v22, v13  }
0xc2: {  	v17 =	vshll.u32 v17, $0x4;
	v18 =	vshll.u32 v18, $0x4;
	v20 =	vshll.u32 v20, $0x4;
	v13 =	vld [tilespmem:s28+$0xFFFFFFE0]  }
0xc3: {  	s26 =	sadd.s32 $0x8, s26;
	v14 =	vshll.u32 v14, $0x4;
	v26 =	vshll.u32 v22, $0x4;
	v25 =	vor.u32 v0, v25;
	v27 =	vld [tilespmem:s28+$0xFFFFFFD0]  }
0xc4: {  	p0 =	slt.u32 s26, $0x1F8;
	v20 =	vor.u32 v0, v20;
	v29 =	vor.u32 v0, v12;
	v23 =	vor.u32 v0, v23;
	v28 =	vld [tilespmem:s28+$0xFFFFFFC0]  }
0xc5: {  	v14 =	vor.u32 v0, v14;
	v17 =	vor.u32 v0, v17;
	v18 =	vor.u32 v0, v18  }
0xc6: {  	v12 =	vor.u32 v0, v26;
	v26 =	vshra.s32 v21, $0x1F  }
0xc7: {  	v32 =	vshra.s32 v19, $0x1F;
	v31 =	vshra.s32 v16, $0x1F;
	v30 =	vshra.s32 v15, $0x1F  }
0xc8: {  	v35 =	vshra.s32 v24, $0x1F;
	v34 =	vshra.s32 v13, $0x1F;
	v33 =	vshra.s32 v27, $0x1F;
	[tilespmem:v25+s15+$0x0] =	vst.idx.msk vm6, v11  }
0xc9: {  	v26 =	vand.u32 $0x7FFFFFFF, v26;
	v25 =	vand.u32 $0x7FFFFFFF, v32;
	v11 =	vshra.s32 v28, $0x1F;
	[tilespmem:v23+s15+$0x0] =	vst.idx.msk vm4, v10  }
0xca: {  	v30 =	vand.u32 $0x7FFFFFFF, v30;
	v23 =	vand.u32 $0x7FFFFFFF, v35;
	v10 =	vand.u32 $0x7FFFFFFF, v31;
	[tilespmem:v29+s15+$0x0] =	vst.idx.msk vm5, v6  }
0xcb: {  	v32 =	vand.u32 $0x7FFFFFFF, v34;
	v31 =	vand.u32 $0x7FFFFFFF, v33;
	v29 =	vand.u32 $0x7FFFFFFF, v11;
	[tilespmem:v20+s15+$0x0] =	vst.idx.msk vm3, v9  }
0xcc: {  	v6 =	vxor.u32 v16, v10;
	v10 =	vxor.u32 v19, v25;
	v11 =	vxor.u32 v21, v26  }
0xcd: {  	v16 =	vxor.u32 v13, v32;
	v19 =	vxor.u32 v24, v23;
	v9 =	vxor.u32 v15, v30  }
0xce: {  	v13 =	vxor.u32 v28, v29;
	v15 =	vxor.u32 v27, v31;
	v20 =	vshrl.u32 v11, $0x18;
	[tilespmem:v18+s15+$0x0] =	vst.idx.msk vm2, v7  }
0xcf: {  	v21 =	vshrl.u32 v6, $0x18;
	v23 =	vshrl.u32 v10, $0x18;
	v18 =	vshrl.u32 v9, $0x18;
	v7 =	vmovc v19;
	[tilespmem:v17+s15+$0x0] =	vst.idx.msk vm1, v4;
	v4 =	vmovc v16  }
0xd0: {  	v17 =	vshrl.u32 v15, $0x18;
	v25 =	vshrl.u32 v7, $0x18;
	v24 =	vshrl.u32 v4, $0x18;
	[tilespmem:v14+s15+$0x0] =	vst.idx.msk vm0, v5;
	v5 =	vmovc v15  }
0xd1: {  	v16 =	vxor.u32 v8, v23;
	v14 =	vshrl.u32 v13, $0x18;
	v15 =	vxor.u32 v8, v20  }
0xd2: {  	v19 =	vxor.u32 v8, v21;
	v23 =	vxor.u32 v8, v18;
	v14 =	vxor.u32 v8, v14  }
.Ltmp5:
0xd3: {  	v18 =	vxor.u32 v8, v25;
	vm4 =	veq.s32 v14, $0x80;
	v14 =	vxor.u32 v8, v17;
	(pc) =	sbr.rel @p0 .LBB2_12-.Ltmp5, $4  }
0xd4: {  	v20 =	vxor.u32 v8, v24;
	v17 =	vsel vm4, $0x1, v1;
	vm0 =	veq.s32 v14, $0x80  }
0xd5: {  	vm1 =	veq.s32 v20, $0x80;
	v14 =	vadd.s32 v17, v22;
	v17 =	vsel vm0, $0x1, v1  }
0xd6: {  	vm2 =	veq.s32 v18, $0x80;
	v20 =	vsel vm1, $0x1, v1;
	v17 =	vadd.s32 v17, v14  }
0xd7: {  	s28 =	sadd.s32 $0x80, s28;
	vm3 =	veq.s32 v23, $0x80;
	v18 =	vadd.s32 v20, v17;
	v20 =	vsel vm2, $0x1, v1  }
0xd8: {  	_ =	sdelay $0x1  }
0xd9: {  	v8 =	vadd.s32 v20, v18;
	v54 =	vsel vm3, $0x1, v1  }
0xda: {  	vm5 =	veq.s32 v19, $0x80;
	vm6 =	veq.s32 v16, $0x80;
	v60 =	vshll.u32 v18, $0x4  }
0xdb: {  	v61 =	vshll.u32 v17, $0x4;
	v14 =	vshll.u32 v14, $0x4;
	v62 =	vor.u32 v0, v60  }
0xdc: {  	[tilespmem:v12+s15+$0x0] =	vst.idx.msk vm4, v13;
	v55 =	vadd.s32 v54, v8;
	v56 =	vsel vm5, $0x1, v1;
	v12 =	vor.u32 v0, v61  }
0xdd: {  	v58 =	vsel vm6, $0x1, v1;
	v8 =	vshll.u32 v8, $0x4;
	v63 =	vor.u32 v0, v14  }
0xde: {  	v57 =	vadd.s32 v56, v55;
	v19 =	vshll.u32 v55, $0x4;
	v8 =	vor.u32 v0, v8  }
0xdf: {  	v20 =	vadd.s32 v58, v57;
	v16 =	vshll.u32 v57, $0x4;
	v19 =	vor.u32 v0, v19  }
0xe0: {  	vm7 =	veq.s32 v15, $0x80;
	v59 =	vshll.u32 v20, $0x4;
	v16 =	vor.u32 v0, v16;
	[tilespmem:v62+s15+$0x0] =	vst.idx.msk vm2, v7  }
0xe1: {  	v15 =	vor.u32 v0, v59;
	[tilespmem:v12+s15+$0x0] =	vst.idx.msk vm1, v4  }
0xe2: {  	[tilespmem:v63+s15+$0x0] =	vst.idx.msk vm0, v5  }
0xe3: {  	[tilespmem:v8+s15+$0x0] =	vst.idx.msk vm3, v9  }
0xe4: {  	[tilespmem:v19+s15+$0x0] =	vst.idx.msk vm5, v6  }
0xe5: {  	v6 =	vsel vm7, $0x1, v1;
	[tilespmem:v16+s15+$0x0] =	vst.idx.msk vm6, v10  }
0xe6: {  	v4 =	vadd.s32 v6, v20;
	[tilespmem:v15+s15+$0x0] =	vst.idx.msk vm7, v11  }
.LBB2_14:
0xe7: {  	v5 =	vxor.u32 $0x80000000, v4  }
0xe8: {  	(xrf0) =	vmax.scan.msk.u32 $0xffff, v5;
	_ =	sdelay $0x5  }
0xe9: {  	v5, _, _ =	vpop (xrf0)  }
0xea: {  	(v2sf) =	vpush v5, $0xF;
	_ =	sdelay $0x9  }
0xeb: {  	p0 =	slt.s32 s24, $0x0  }
.Ltmp6:
0xec: {  	_ = 	snop;
	(pc) =	sbr.rel @p0 .LBB2_20-.Ltmp6, $2  }
0xed: {  	_ =	sdelay $0x2  }
0xee: {  	s25 =	sshll.u32 s25, $0x18;
	s0 =	spop (v2sf)  }
.Ltmp7:
0xef: {  	(pc) =	sbr.rel .LBB2_16-.Ltmp7, $2  }
0xf0: {  	_ =	sdelay $0x2  }
0xf1: {  	s26 =	sxor.u32 $0x80000000, s0;
	s29 =	simm.s32 $0x0  }
.LBB2_17:
0xf2: {  	v5 =	vimm.s32 $0x0  }
.LBB2_18:
0xf3: {  	(xrf0) =	vadd.scan.msk.s32 $0xffff, v5;
	_ =	sdelay $0x5  }
0xf4: {  	v5, _, _ =	vpop (xrf0)  }
0xf5: {  	(v2sf) =	vpush v5, $0xF;
	_ =	sdelay $0xe  }
0xf6: {  	p0 =	sgt.u32 s29, $0x16;
	s0 =	spop (v2sf)  }
0xf7: {  	p1 =	slt.s32 s0, s24;
	p2 =	seq.s32 @!p0 s0, s24  }
0xf8: {  	s28 =	smov.u32 @p1 s25;
	p1 =	por p0, p2  }
.Ltmp8:
0xf9: {  	_ = 	snop;
	(pc) =	sbr.rel @p1 .LBB2_19-.Ltmp8, $2  }
0xfa: {  	_ =	sdelay $0x2  }
0xfb: {  	s29 =	sadd.s32 $0x1, s29;
	s25 =	smov.u32 s28  }
.LBB2_16:
0xfc: {  	p0 =	slt.s32 s26, $0x1  }
.Ltmp9:
0xfd: {  	_ = 	snop;
	(pc) =	sbr.rel @p0 .LBB2_17-.Ltmp9, $3  }
0xfe: {  	_ =	sdelay $0x1  }
0xff: {  	s0 =	sshrl.u32 s21, s29  }
0x100: {  	s28 =	sor.u32 s0, s25  }
0x101: {  	p1 =	seq.s32 s26, $0x1  }
.Ltmp10:
0x102: {  	_ = 	snop;
	(pc) =	sbr.rel @p1 .LBB2_48-.Ltmp10, $3  }
0x103: {  	_ =	sdelay $0x1  }
0x104: {  	s0 =	sxor.u32 $0x80000000, s28;
	s8 =	simm.s32 $0x9000  }
0x105: {  	s1 =	simm.s32 $0x0;
	v5 =	vimm.s32 $0x0;
	p0 =	por $0x0, $0x0;
	v6 =	vmov s0;
	s0 =	simm.s32 $0x1;
	v7 =	vld [tilespmem:s8+$0x0]  }
0x106: {  	_ = 	snop  }
0x107: {  	p1 =	seq.s32 s26, $0x2  }
.Ltmp11:
0x108: {  	_ = 	snop;
	(pc) =	sbr.rel @p1 .LBB2_50-.Ltmp11, $4  }
0x109: {  	_ = 	snop  }
0x10a: {  	vm0 =	vgt.s32 v4, s1;
	vm1 =	vge.s32 v7, v6  }
0x10b: {  	s1 =	simm.s32 $0x9010;
	vm0 =	vmand vm0, vm1  }
0x10c: {  	s8 =	simm.s32 $0x2;
	p0 =	por $0x1, $0x1;
	v8 =	vimm.s32 $0x0;
	v7 =	vld [tilespmem:s1+$0x0];
	v9 =	vsel vm0, $0x1, v1  }
.LBB2_51:
0x10d: {  	s9 =	smov.u32 s8;
	s8 =	sadd.s32 $0x1, s8  }
0x10e: {  	v8 =	vadd.s32 v9, v8;
	p1 =	seq.s32 s26, s8  }
.Ltmp12:
0x10f: {  	(pc) =	sbr.rel @!p1 .LBB2_51-.Ltmp12, $4  }
0x110: {  	_ = 	snop  }
0x111: {  	vm0 =	vgt.s32 v4, s0;
	s1 =	sadd.s32 $0x10, s1;
	s0 =	smov.u32 s9;
	vm1 =	vge.s32 v7, v6  }
0x112: {  	v7 =	vld [tilespmem:s1+$0x0];
	vm0 =	vmand vm0, vm1  }
0x113: {  	v9 =	vsel vm0, $0x1, v1  }
0x114: {  	s1 =	smov.u32 s0  }
.LBB2_53:
0x115: {  	_ = 	snop  }
.Ltmp13:
0x116: {  	_ = 	snop;
	(pc) =	sbr.rel .LBB2_18-.Ltmp13, $4  }
0x117: {  	vm0 =	vgt.s32 v4, s1;
	vm1 =	vge.s32 v7, v6  }
0x118: {  	v6 =	vadd.s32 @p0 v9, v8;
	vm0 =	vmand vm0, vm1  }
0x119: {  	v5 =	vpsel p0, v6, v5;
	v7 =	vsel vm0, $0x1, v1  }
0x11a: {  	v5 =	vadd.s32 v7, v5  }
.LBB2_48:
.Ltmp14:
0x11b: {  	(pc) =	sbr.rel .LBB2_53-.Ltmp14, $2  }
0x11c: {  	_ =	sdelay $0x2  }
0x11d: {  	v8 =	vimm.s32 $0x0  }
.LBB2_50:
.Ltmp15:
0x11e: {  	(pc) =	sbr.rel .LBB2_53-.Ltmp15, $2  }
0x11f: {  	_ =	sdelay $0x2  }
0x120: {  	v8 =	vimm.s32 $0x0;
	s1 =	simm.s32 $0x1  }
.LBB2_19:
0x121: {  	s28 =	smov.u32 @p0 s28  }
0x122: {  	s25 =	smov.u32 s28  }
.LBB2_20:
0x123: {  	p0 =	sgt.s32 s25, $0xFFFFFFFF;
	s0 =	simm.s32 $0xFFFFFFFF;
	s1 =	simm.s32 $0x40  }
0x124: {  	s0 =	simm.s32 @!p0 $0x80000000;
	v5 =	vld [tilespmem:s1+$0x30]  }
0x125: {  	v6 =	vld [tilespmem:s1+$0xFFFFFFD0];
	s0 =	sxor.u32 s25, s0  }
0x126: {  	v4 =	vmov s0  }
0x127: {  	v4 =	vbroadcast v4, $0x0  }
0x128: {  	v7 =	vld [tilespmem:s1+$0xFFFFFFE0]  }
0x129: {  	v10 =	vld [tilespmem:s1+$0xFFFFFFC0];
	vm0 =	vge.f32 v5, v4  }
0x12a: {  	s26 =	simm.s32 $0x4040;
	v8 =	vld [tilespmem:s1+$0xFFFFFFF0];
	vm11 =	vge.f32 v6, v4;
	v5 =	vnsel vm0, $0x0, v5  }
0x12b: {  	v9 =	vld [tilespmem:s1+$0x0];
	v6 =	vnsel vm11, $0x0, v6;
	[tilespmem:s26+$0x30] =	vst v5  }
0x12c: {  	s28 =	simm.s32 $0x8040;
	v11 =	vld [tilespmem:s1+$0x20];
	[tilespmem:s26+$0xFFFFFFD0] =	vst v6  }
0x12d: {  	vm12 =	vge.f32 v7, v4;
	v5 =	vld [tilespmem:s1+$0x10];
	[tilespmem:s28+$0x30] =	vst v1  }
0x12e: {  	vm14 =	vge.f32 v10, v4;
	v6 =	vnsel vm12, $0x0, v7;
	[tilespmem:s28+$0xFFFFFFD0] =	vst v1  }
0x12f: {  	v7 =	vnsel vm14, $0x0, v10;
	[tilespmem:s26+$0xFFFFFFE0] =	vst v6  }
0x130: {  	vm13 =	vge.f32 v8, v4;
	[tilespmem:s26+$0xFFFFFFC0] =	vst v7  }
0x131: {  	v6 =	vnsel vm13, $0x0, v8;
	[tilespmem:s28+$0xFFFFFFE0] =	vst v1  }
0x132: {  	s31 =	sshll.u32 s23, $0x1;
	s29 =	simm.s32 $0x1070;
	s30 =	simm.s32 $0xC0;
	vm15 =	vge.f32 v9, v4;
	vm2 =	vge.f32 v11, v4;
	[tilespmem:s26+$0xFFFFFFF0] =	vst v6;
	vm1 =	vge.f32 v5, v4  }
0x133: {  	s24 =	sadd.s32 s4, s31;
	s25 =	simm.s32 $0x5070;
	s1 =	simm.s32 $0x0;
	v7 =	vnsel vm15, $0x0, v9;
	[tilespmem:s28+$0xFFFFFFC0] =	vst v1;
	v6 =	vnsel vm1, $0x0, v5;
	v5 =	vnsel vm2, $0x0, v11  }
.LBB2_21:
0x134: {  	v8 =	vld [tilespmem:s30+$0x30];
	[tilespmem:s28+$0xFFFFFFF0] =	vst v1  }
0x135: {  	s1 =	sadd.s32 $0x8, s1;
	v9 =	vld [tilespmem:s30+$0xFFFFFFD0];
	[tilespmem:s26+$0x0] =	vst v7  }
0x136: {  	p0 =	slt.u32 s1, $0xF8;
	v7 =	vld [tilespmem:s30+$0xFFFFFFE0];
	[tilespmem:s28+$0x0] =	vst v1  }
0x137: {  	v10 =	vld [tilespmem:s30+$0xFFFFFFF0];
	[tilespmem:s26+$0x10] =	vst v6  }
0x138: {  	v6 =	vld [tilespmem:s30+$0x0];
	[tilespmem:s28+$0x10] =	vst v1  }
0x139: {  	v11 =	vld [tilespmem:s30+$0x10];
	vm0 =	vge.f32 v8, v4;
	[tilespmem:s26+$0x20] =	vst v5  }
0x13a: {  	s26 =	sadd.s32 $0x80, s26;
	vm1 =	vge.f32 v9, v4;
	v5 =	vld [tilespmem:s30+$0x20];
	v8 =	vnsel vm0, $0x0, v8;
	[tilespmem:s28+$0x20] =	vst v1  }
0x13b: {  	s28 =	sadd.s32 $0x80, s28;
	v12 =	vld [tilespmem:s30+$0xFFFFFFC0];
	v9 =	vnsel vm1, $0x0, v9;
	vm0 =	vge.f32 v7, v4;
	[tilespmem:s26+$0x30] =	vst v8  }
0x13c: {  	v8 =	vnsel vm0, $0x0, v7;
	vm0 =	vge.f32 v10, v4;
	[tilespmem:s28+$0x30] =	vst v1  }
0x13d: {  	[tilespmem:s26+$0xFFFFFFD0] =	vst v9;
	v9 =	vnsel vm0, $0x0, v10;
	vm0 =	vge.f32 v6, v4  }
0x13e: {  	[tilespmem:s28+$0xFFFFFFD0] =	vst v1;
	v7 =	vnsel vm0, $0x0, v6;
	vm0 =	vge.f32 v11, v4  }
.Ltmp16:
0x13f: {  	[tilespmem:s26+$0xFFFFFFE0] =	vst v8;
	v6 =	vnsel vm0, $0x0, v11;
	vm0 =	vge.f32 v5, v4;
	(pc) =	sbr.rel @p0 .LBB2_21-.Ltmp16, $4  }
0x140: {  	vm1 =	vge.f32 v12, v4;
	[tilespmem:s28+$0xFFFFFFE0] =	vst v1;
	v5 =	vnsel vm0, $0x0, v5  }
0x141: {  	v8 =	vnsel vm1, $0x0, v12;
	[tilespmem:s26+$0xFFFFFFF0] =	vst v9  }
0x142: {  	[tilespmem:s26+$0xFFFFFFC0] =	vst v8  }
0x143: {  	s30 =	sadd.s32 $0x80, s30;
	[tilespmem:s28+$0xFFFFFFC0] =	vst v1  }
0x144: {  	[tilespmem:s28+$0xFFFFFFF0] =	vst v1  }
0x145: {  	[tilespmem:s26+$0x0] =	vst v7  }
0x146: {  	[tilespmem:s26+$0x10] =	vst v6  }
0x147: {  	[tilespmem:s26+$0x20] =	vst v5  }
0x148: {  	[tilespmem:s28+$0x0] =	vst v1  }
0x149: {  	[tilespmem:s28+$0x10] =	vst v1  }
0x14a: {  	[tilespmem:s28+$0x20] =	vst v1  }
0x14b: {  	v8 =	vld [tilespmem:s29+$0x0]  }
0x14c: {  	v11 =	vld [tilespmem:s29+$0xFFFFFFA0]  }
0x14d: {  	v10 =	vld [tilespmem:s29+$0xFFFFFFB0]  }
0x14e: {  	v9 =	vld [tilespmem:s29+$0xFFFFFFC0]  }
0x14f: {  	v7 =	vld [tilespmem:s29+$0xFFFFFFD0]  }
0x150: {  	v6 =	vld [tilespmem:s29+$0xFFFFFFE0];
	vm0 =	vge.f32 v8, v4  }
0x151: {  	v5 =	vld [tilespmem:s29+$0xFFFFFFF0];
	vm1 =	vge.f32 v11, v4;
	v12 =	vnsel vm0, $0x0, v8  }
0x152: {  	s0 =	simm.s32 $0x100;
	s1 =	simm.s32 $0x10F0;
	v8 =	vld [tilespmem:s29+$0xFFFFFF90];
	v11 =	vnsel vm1, $0x0, v11;
	vm0 =	vge.f32 v10, v4;
	[tilespmem:s25+$0x0] =	vst v12  }
.LBB2_23:
0x153: {  	v12 =	vld [tilespmem:s1+$0x0];
	s0 =	sadd.s32 $0x8, s0;
	[tilespmem:s25+$0xFFFFFFA0] =	vst v11;
	v10 =	vnsel vm0, $0x0, v10;
	vm0 =	vge.f32 v9, v4  }
0x154: {  	v11 =	vld [tilespmem:s1+$0xFFFFFFA0];
	p0 =	slt.u32 s0, $0x1F8;
	[tilespmem:s25+$0xFFFFFFB0] =	vst v10;
	v9 =	vnsel vm0, $0x0, v9;
	vm0 =	vge.f32 v7, v4  }
0x155: {  	v10 =	vld [tilespmem:s1+$0xFFFFFFB0];
	[tilespmem:s25+$0xFFFFFFC0] =	vst v9;
	v7 =	vnsel vm0, $0x0, v7;
	vm0 =	vge.f32 v6, v4  }
.Ltmp17:
0x156: {  	v9 =	vld [tilespmem:s1+$0xFFFFFFC0];
	[tilespmem:s25+$0xFFFFFFD0] =	vst v7;
	v6 =	vnsel vm0, $0x0, v6;
	vm0 =	vge.f32 v5, v4;
	(pc) =	sbr.rel @p0 .LBB2_23-.Ltmp17, $4  }
0x157: {  	v7 =	vld [tilespmem:s1+$0xFFFFFFD0];
	vm1 =	vge.f32 v8, v4;
	[tilespmem:s25+$0xFFFFFFE0] =	vst v6;
	v5 =	vnsel vm0, $0x0, v5  }
0x158: {  	v6 =	vld [tilespmem:s1+$0xFFFFFFE0];
	vm0 =	vge.f32 v12, v4;
	v8 =	vnsel vm1, $0x0, v8;
	[tilespmem:s25+$0xFFFFFFF0] =	vst v5  }
0x159: {  	vm1 =	vge.f32 v11, v4;
	v5 =	vld [tilespmem:s1+$0xFFFFFFF0];
	v12 =	vnsel vm0, $0x0, v12;
	[tilespmem:s25+$0xFFFFFF90] =	vst v8;
	s25 =	sadd.s32 $0x80, s25  }
0x15a: {  	v8 =	vld [tilespmem:s1+$0xFFFFFF90];
	v11 =	vnsel vm1, $0x0, v11;
	vm0 =	vge.f32 v10, v4;
	[tilespmem:s25+$0x0] =	vst v12;
	s1 =	sadd.s32 $0x80, s1  }
0x15b: {  	[tilespmem:s25+$0xFFFFFFA0] =	vst v11;
	v10 =	vnsel vm0, $0x0, v10;
	vm0 =	vge.f32 v9, v4  }
0x15c: {  	[tilespmem:s25+$0xFFFFFFB0] =	vst v10;
	v9 =	vnsel vm0, $0x0, v9;
	vm0 =	vge.f32 v7, v4  }
0x15d: {  	[tilespmem:s25+$0xFFFFFFC0] =	vst v9;
	v7 =	vnsel vm0, $0x0, v7;
	vm0 =	vge.f32 v6, v4  }
0x15e: {  	[tilespmem:s25+$0xFFFFFFD0] =	vst v7;
	v6 =	vnsel vm0, $0x0, v6;
	vm0 =	vge.f32 v5, v4  }
0x15f: {  	vm1 =	vge.f32 v8, v4;
	[tilespmem:s25+$0xFFFFFFE0] =	vst v6;
	v4 =	vnsel vm0, $0x0, v5  }
0x160: {  	p0 =	seq.s32 s23, $0x0;
	v5 =	vnsel vm1, $0x0, v8;
	[tilespmem:s25+$0xFFFFFFF0] =	vst v4  }
0x161: {  	s1 =	sshll.u32 s24, $0x4;
	s8 =	sshll.u32 s24, $0xA;
	s0 =	simm.s32 @!p0 $0x3;
	[tilespmem:s25+$0xFFFFFF90] =	vst v5  }
0x162: {  	s9 =	sadd.s32 $0x2, s24;
	s25 =	sand.u32 $0x60, s1;
	_ =	swait.ge @!p0 [sflag:s0], $0x2000  }
0x163: {  	s26 =	sand.u32 $0xFFFE000, s8;
	s1 =	sadd.s32 s5, s25;
	[sflag:s0] =	ssyncset.done @!p0 $0x0  }
0x164: {  	s8 =	sadd.s32 s26, s1;
	[sflag:s0] =	ssyncadd.s32 @!p0 $0xFFFFE000;
	s0 =	smin.u32 s9, s6  }
0x165: {  	[hbm4b:s8+s10] =	stream.strided.scatter [tilespmem:s16], [sflag:$0x3], $0x2000, s11, s10, $0x38;
	[tilespmem:$0xB080] =	vst v63  }
0x166: {  	s30 =	sshll.u32 s0, $0x4  }
0x167: {  	s0 =	sshll.u32 s0, $0xA;
	s1 =	sand.u32 $0x70, s30  }
0x168: {  	s0 =	sand.u32 $0x7FE000, s0;
	s1 =	sadd.s32 s2, s1  }
0x169: {  	s0 =	sadd.s32 s0, s1  }
0x16a: {  	[tilespmem:s3], [sflag:$0x1] =	stream.strided.gather [hbm4b:s0+s10], $0x2000, s11, s10, $0x38;
	[tilespmem:$0xB080] =	vst v63  }
0x16b: {  	_ =	swait.ge [sflag:s17], $0x2000  }
0x16c: {  	[sflag:s17] =	ssyncset.done $0x0  }
0x16d: {  	s31 =	simm.s32 $0x2040;
	[sflag:s17] =	ssyncadd.s32 $0xFFFFE000  }
0x16e: {  	v4 =	vld [tilespmem:s31+$0x30]  }
0x16f: {  	v5 =	vld [tilespmem:s31+$0xFFFFFFD0]  }
0x170: {  	v8 =	vld [tilespmem:s31+$0x20]  }
0x171: {  	v10 =	vld [tilespmem:s31+$0xFFFFFFF0]  }
0x172: {  	v13 =	vld [tilespmem:s31+$0xFFFFFFE0]  }
0x173: {  	v15 =	vld [tilespmem:s31+$0xFFFFFFC0]  }
0x174: {  	v11 =	vld [tilespmem:s31+$0x10]  }
0x175: {  	v18 =	vimm.s32 $0x80000000;
	v17 =	vimm.s32 $0x0  }
0x176: {  	v7 =	vshll.u32 v17, $0x4;
	v6 =	vshra.s32 v4, $0x1F;
	v9 =	vshra.s32 v5, $0x1F  }
0x177: {  	v12 =	vshra.s32 v8, $0x1F;
	v14 =	vshra.s32 v10, $0x1F;
	v20 =	vshra.s32 v13, $0x1F  }
0x178: {  	v22 =	vshra.s32 v15, $0x1F;
	v6 =	vand.u32 $0x7FFFFFFF, v6;
	v9 =	vand.u32 $0x7FFFFFFF, v9  }
0x179: {  	v19 =	vand.u32 $0x7FFFFFFF, v12;
	v12 =	vshra.s32 v11, $0x1F;
	v14 =	vand.u32 $0x7FFFFFFF, v14  }
0x17a: {  	v20 =	vand.u32 $0x7FFFFFFF, v20;
	v22 =	vand.u32 $0x7FFFFFFF, v22;
	v5 =	vxor.u32 v5, v9  }
0x17b: {  	v16 =	vand.u32 $0x7FFFFFFF, v12;
	v6 =	vxor.u32 v4, v6;
	v10 =	vxor.u32 v10, v14  }
0x17c: {  	v14 =	vxor.u32 v13, v20;
	v8 =	vxor.u32 v8, v19;
	v9 =	vshrl.u32 v5, $0x18  }
0x17d: {  	v12 =	vshrl.u32 v6, $0x18;
	v20 =	vshrl.u32 v10, $0x18;
	v24 =	vshrl.u32 v14, $0x18  }
0x17e: {  	v13 =	vxor.u32 v11, v16;
	v11 =	vxor.u32 v15, v22;
	v27 =	vshrl.u32 v8, $0x18  }
0x17f: {  	v4 =	vld [tilespmem:s31+$0x0];
	vm1 =	veq.s32 v9, $0x40;
	vm3 =	veq.s32 v12, $0x40;
	vm4 =	veq.s32 v20, $0x40  }
0x180: {  	vm5 =	veq.s32 v24, $0x40;
	v16 =	vshrl.u32 v11, $0x18;
	vm0 =	veq.s32 v27, $0x40  }
0x181: {  	vm8 =	vgt.s32 v18, v11;
	v24 =	vshll.u32 v24, $0x4;
	v21 =	vsel vm1, $0x1, v1  }
0x182: {  	v22 =	vsel vm5, $0x1, v1;
	v25 =	vsel vm4, $0x1, v1;
	vm2 =	veq.s32 v16, $0x40  }
0x183: {  	v18 =	vsel vm8, v18, v11;
	v28 =	vsel vm0, $0x1, v1;
	v24 =	vxor.u32 v2, v24  }
0x184: {  	v30 =	vsel vm3, $0x1, v1;
	vm8 =	vgt.s32 v18, v5;
	v23 =	vshra.s32 v4, $0x1F  }
0x185: {  	v19 =	vsel vm2, $0x1, v1;
	v18 =	vsel vm8, v18, v5;
	v15 =	vand.u32 $0x7FFFFFFF, v23  }
0x186: {  	vm8 =	vgt.s32 v18, v14;
	v15 =	vxor.u32 v4, v15;
	v4 =	vshll.u32 v20, $0x4  }
0x187: {  	v20 =	vadd.s32 v19, v17;
	v19 =	vshrl.u32 v13, $0x18;
	v4 =	vxor.u32 v2, v4  }
0x188: {  	v17 =	vshrl.u32 v15, $0x18;
	vm7 =	veq.s32 v19, $0x40;
	v21 =	vadd.s32 v21, v20  }
0x189: {  	v19 =	vshll.u32 v19, $0x4;
	vm6 =	veq.s32 v17, $0x40;
	v23 =	vadd.s32 v22, v21  }
0x18a: {  	v19 =	vxor.u32 v2, v19;
	v22 =	vsel vm6, $0x1, v1;
	v25 =	vadd.s32 v25, v23  }
0x18b: {  	v20 =	vshll.u32 v20, $0x4;
	v26 =	vsel vm7, $0x1, v1;
	v29 =	vadd.s32 v22, v25  }
0x18c: {  	[tilespmem:v24+s14+$0x0] =	vst.idx.add.s32.msk $0xffff, v3;
	v24 =	vshll.u32 v27, $0x4;
	v22 =	vadd.s32 v26, v29;
	v26 =	vsel vm8, v18, v14  }
0x18d: {  	v28 =	vadd.s32 v28, v22;
	v18 =	vshll.u32 v22, $0x4;
	vm8 =	vgt.s32 v26, v10  }
0x18e: {  	[tilespmem:v4+s14+$0x0] =	vst.idx.add.s32.msk $0xffff, v3;
	v4 =	vadd.s32 v30, v28;
	v22 =	vshll.u32 v28, $0x4;
	v63 =	vsel vm8, v26, v10  }
0x18f: {  	[tilespmem:v19+s14+$0x0] =	vst.idx.add.s32.msk $0xffff, v3;
	v19 =	vshll.u32 v25, $0x4;
	v25 =	vshll.u32 v29, $0x4;
	vm8 =	vgt.s32 v63, v15  }
0x190: {  	s28 =	simm.s32 $0x0;
	s29 =	simm.s32 $0x20C0;
	v19 =	vor.u32 v0, v19;
	v26 =	vor.u32 v0, v25;
	v25 =	vsel vm8, v63, v15  }
.LBB2_25:
0x191: {  	v21 =	vshll.u32 v21, $0x4;
	v23 =	vshll.u32 v23, $0x4  }
0x192: {  	v27 =	vld [tilespmem:s29+$0x30];
	s28 =	sadd.s32 $0x8, s28;
	v17 =	vshll.u32 v17, $0x4;
	vm8 =	vmmov vm1;
	vm9 =	vmmov vm3  }
0x193: {  	v16 =	vshll.u32 v16, $0x4;
	v28 =	vld [tilespmem:s29+$0x20];
	p1 =	slt.u32 s28, $0x1F8;
	v21 =	vor.u32 v0, v21;
	v23 =	vor.u32 v0, v23  }
0x194: {  	v12 =	vshll.u32 v12, $0x4;
	v16 =	vxor.u32 v2, v16;
	v17 =	vxor.u32 v2, v17;
	v29 =	vld [tilespmem:s29+$0xFFFFFFD0]  }
0x195: {  	v9 =	vshll.u32 v9, $0x4;
	v30 =	vld [tilespmem:s29+$0x10];
	[tilespmem:v26+s15+$0x0] =	vst.idx.msk vm7, v13;
	v26 =	vxor.u32 v2, v12  }
0x196: {  	v32 =	vor.u32 v0, v7;
	v7 =	vshll.u32 v4, $0x4;
	v33 =	vxor.u32 v2, v9;
	v31 =	vld [tilespmem:s29+$0xFFFFFFE0]  }
0x197: {  	v18 =	vor.u32 v0, v18;
	v22 =	vor.u32 v0, v22;
	v34 =	vld [tilespmem:s29+$0x0];
	v9 =	vshra.s32 v27, $0x1F  }
0x198: {  	vm1 =	vgt.s32 v25, v13;
	v35 =	vld [tilespmem:s29+$0xFFFFFFF0];
	v12 =	vshra.s32 v28, $0x1F;
	v9 =	vand.u32 $0x7FFFFFFF, v9;
	[tilespmem:v21+s15+$0x0] =	vst.idx.msk vm5, v14  }
0x199: {  	v14 =	vshra.s32 v29, $0x1F;
	v21 =	vand.u32 $0x7FFFFFFF, v12;
	[tilespmem:v23+s15+$0x0] =	vst.idx.msk vm4, v10;
	v23 =	vxor.u32 v2, v24  }
0x19a: {  	v20 =	vor.u32 v0, v20;
	v10 =	vand.u32 $0x7FFFFFFF, v14;
	v12 =	vshra.s32 v30, $0x1F;
	[tilespmem:v17+s14+$0x0] =	vst.idx.add.s32.msk $0xffff, v3  }
0x19b: {  	v27 =	vxor.u32 v27, v9;
	v17 =	vld [tilespmem:s29+$0xFFFFFFC0];
	v24 =	vxor.u32 v29, v10;
	v29 =	vand.u32 $0x7FFFFFFF, v12;
	[tilespmem:v19+s15+$0x0] =	vst.idx.msk vm6, v15  }
0x19c: {  	v12 =	vshrl.u32 v27, $0x18;
	v10 =	vsel vm1, v25, v13;
	v9 =	vshrl.u32 v24, $0x18;
	[tilespmem:v16+s14+$0x0] =	vst.idx.add.s32.msk $0xffff, v3  }
0x19d: {  	vm3 =	veq.s32 v12, $0x40;
	vm1 =	veq.s32 v9, $0x40;
	[tilespmem:v32+s15+$0x0] =	vst.idx.msk vm2, v11;
	vm2 =	vgt.s32 v10, v8  }
0x19e: {  	v11 =	vshra.s32 v35, $0x1F;
	v19 =	vsel vm1, $0x1, v1;
	v13 =	vsel vm2, v10, v8;
	[tilespmem:v26+s14+$0x0] =	vst.idx.add.s32.msk $0xffff, v3  }
0x19f: {  	v10 =	vshra.s32 v31, $0x1F;
	v11 =	vand.u32 $0x7FFFFFFF, v11;
	[tilespmem:v22+s15+$0x0] =	vst.idx.msk vm9, v6;
	vm2 =	vgt.s32 v13, v6  }
0x1a0: {  	v14 =	vand.u32 $0x7FFFFFFF, v10;
	v10 =	vxor.u32 v35, v11;
	[tilespmem:v23+s14+$0x0] =	vst.idx.add.s32.msk $0xffff, v3;
	v22 =	vsel vm2, v13, v6  }
0x1a1: {  	v11 =	vshra.s32 v17, $0x1F;
	v14 =	vxor.u32 v31, v14;
	v23 =	vshrl.u32 v10, $0x18;
	v6 =	vmovc v27;
	[tilespmem:v33+s14+$0x0] =	vst.idx.add.s32.msk $0xffff, v3  }
0x1a2: {  	v11 =	vand.u32 $0x7FFFFFFF, v11;
	v25 =	vshrl.u32 v14, $0x18;
	vm4 =	veq.s32 v23, $0x40;
	[tilespmem:v18+s15+$0x0] =	vst.idx.msk vm0, v8  }
0x1a3: {  	v13 =	vxor.u32 v30, v29;
	vm5 =	veq.s32 v25, $0x40;
	v8 =	vshra.s32 v34, $0x1F;
	[tilespmem:v20+s15+$0x0] =	vst.idx.msk vm8, v5;
	v5 =	vmovc v24  }
0x1a4: {  	v11 =	vxor.u32 v17, v11;
	v18 =	vsel vm5, $0x1, v1;
	v8 =	vand.u32 $0x7FFFFFFF, v8  }
0x1a5: {  	v16 =	vshrl.u32 v11, $0x18;
	v20 =	vsel vm4, $0x1, v1;
	v15 =	vxor.u32 v34, v8  }
0x1a6: {  	v17 =	vshll.u32 v23, $0x4;
	vm2 =	veq.s32 v16, $0x40;
	v8 =	vxor.u32 v28, v21  }
0x1a7: {  	v24 =	vxor.u32 v2, v17;
	v21 =	vsel vm2, $0x1, v1;
	v27 =	vshrl.u32 v8, $0x18  }
0x1a8: {  	v17 =	vshrl.u32 v15, $0x18;
	v28 =	vadd.s32 v21, v4;
	v4 =	vshrl.u32 v13, $0x18  }
0x1a9: {  	vm6 =	veq.s32 v17, $0x40;
	vm0 =	veq.s32 v27, $0x40;
	vm7 =	veq.s32 v4, $0x40  }
0x1aa: {  	v29 =	vsel vm3, $0x1, v1;
	v4 =	vshll.u32 v4, $0x4;
	v26 =	vsel vm7, $0x1, v1  }
0x1ab: {  	vm8 =	vgt.s32 v22, v11;
	v21 =	vadd.s32 v19, v28;
	v4 =	vxor.u32 v2, v4  }
0x1ac: {  	v19 =	vsel vm8, v22, v11;
	v23 =	vadd.s32 v18, v21;
	v18 =	vsel vm6, $0x1, v1  }
0x1ad: {  	v22 =	vsel vm0, $0x1, v1;
	vm8 =	vgt.s32 v19, v5;
	v20 =	vadd.s32 v20, v23;
	[tilespmem:v24+s14+$0x0] =	vst.idx.add.s32.msk $0xffff, v3  }
0x1ae: {  	v19 =	vsel vm8, v19, v5;
	v24 =	vshll.u32 v25, $0x4;
	v25 =	vadd.s32 v18, v20  }
0x1af: {  	vm8 =	vgt.s32 v19, v14;
	v24 =	vxor.u32 v2, v24;
	v26 =	vadd.s32 v26, v25  }
.Ltmp18:
0x1b0: {  	v19 =	vsel vm8, v19, v14;
	v18 =	vshll.u32 v26, $0x4;
	[tilespmem:v4+s14+$0x0] =	vst.idx.add.s32.msk $0xffff, v3;
	v4 =	vadd.s32 v22, v26;
	(pc) =	sbr.rel @p1 .LBB2_25-.Ltmp18, $4  }
0x1b1: {  	vm8 =	vgt.s32 v19, v10;
	v22 =	vshll.u32 v4, $0x4;
	v4 =	vadd.s32 v29, v4  }
0x1b2: {  	v29 =	vsel vm8, v19, v10;
	v19 =	vshll.u32 v20, $0x4;
	v20 =	vshll.u32 v25, $0x4  }
0x1b3: {  	v19 =	vor.u32 v0, v19;
	vm8 =	vgt.s32 v29, v15;
	v26 =	vor.u32 v0, v20  }
0x1b4: {  	s29 =	sadd.s32 $0x80, s29;
	v20 =	vshll.u32 v28, $0x4;
	v25 =	vsel vm8, v29, v15;
	[tilespmem:v24+s14+$0x0] =	vst.idx.add.s32.msk $0xffff, v3;
	v24 =	vshll.u32 v27, $0x4  }
0x1b5: {  	vm8 =	vgt.s32 v25, v13  }
0x1b6: {  	v25 =	vsel vm8, v25, v13  }
0x1b7: {  	vm8 =	vgt.s32 v25, v8  }
0x1b8: {  	v25 =	vsel vm8, v25, v8  }
0x1b9: {  	vm8 =	vgt.s32 v25, v6  }
0x1ba: {  	v25 =	vsel vm8, v25, v6  }
0x1bb: {  	v25 =	vxor.u32 $0x80000000, v25  }
0x1bc: {  	(xrf0) =	vmax.scan.msk.u32 $0xffff, v25;
	_ =	sdelay $0x5  }
0x1bd: {  	v25, _, _ =	vpop (xrf0)  }
0x1be: {  	(v2sf) =	vpush v25, $0xF  }
0x1bf: {  	v21 =	vshll.u32 v21, $0x4;
	v62 =	vxor.u32 v2, v24  }
0x1c0: {  	v23 =	vshll.u32 v23, $0x4;
	v21 =	vor.u32 v0, v21  }
0x1c1: {  	v17 =	vshll.u32 v17, $0x4;
	v23 =	vor.u32 v0, v23  }
0x1c2: {  	v16 =	vshll.u32 v16, $0x4;
	v17 =	vxor.u32 v2, v17  }
0x1c3: {  	[tilespmem:v26+s15+$0x0] =	vst.idx.msk vm7, v13;
	v12 =	vshll.u32 v12, $0x4;
	v16 =	vxor.u32 v2, v16  }
0x1c4: {  	v12 =	vxor.u32 v2, v12;
	[tilespmem:v62+s14+$0x0] =	vst.idx.add.s32.msk $0xffff, v3  }
0x1c5: {  	v7 =	vor.u32 v0, v7;
	v9 =	vshll.u32 v9, $0x4;
	[tilespmem:v21+s15+$0x0] =	vst.idx.msk vm5, v14  }
0x1c6: {  	v9 =	vxor.u32 v2, v9;
	[tilespmem:v23+s15+$0x0] =	vst.idx.msk vm4, v10  }
0x1c7: {  	v63 =	vor.u32 v0, v18;
	[tilespmem:v17+s14+$0x0] =	vst.idx.add.s32.msk $0xffff, v3  }
0x1c8: {  	vm3 =	vmmov vm3;
	[tilespmem:v16+s14+$0x0] =	vst.idx.add.s32.msk $0xffff, v3  }
0x1c9: {  	v61 =	vor.u32 v0, v22;
	vm1 =	vmmov vm1;
	[tilespmem:v12+s14+$0x0] =	vst.idx.add.s32.msk $0xffff, v3  }
0x1ca: {  	[tilespmem:v7+s15+$0x0] =	vst.idx.msk vm2, v11;
	v7 =	vor.u32 v0, v20  }
0x1cb: {  	[tilespmem:v9+s14+$0x0] =	vst.idx.add.s32.msk $0xffff, v3  }
0x1cc: {  	[tilespmem:v63+s15+$0x0] =	vst.idx.msk vm0, v8  }
0x1cd: {  	[tilespmem:v19+s15+$0x0] =	vst.idx.msk vm6, v15;
	s1 =	spop (v2sf)  }
0x1ce: {  	[tilespmem:v61+s15+$0x0] =	vst.idx.msk vm3, v6;
	s0 =	sshrl.u32 s1, $0x14  }
0x1cf: {  	[tilespmem:v7+s15+$0x0] =	vst.idx.msk vm1, v5;
	s0 =	sand.u32 $0xFF0, s0  }
0x1d0: {  	v5 =	vld [tilespmem:s0+$0x8000];
	_ =	sdelay $0x4  }
0x1d1: {  	(xrf0) =	vadd.scan.msk.s32 $0xffff, v5;
	_ =	sdelay $0x5  }
0x1d2: {  	v5, _, _ =	vpop (xrf0)  }
0x1d3: {  	(v2sf) =	vpush v5, $0xF;
	_ =	sdelay $0xe  }
0x1d4: {  	s0 =	spop (v2sf)  }
0x1d5: {  	p1 =	sgt.s32 s0, $0x3F  }
.Ltmp19:
0x1d6: {  	_ = 	snop;
	(pc) =	sbr.rel @p1 .LBB2_30-.Ltmp19, $2  }
0x1d7: {  	_ =	sdelay $0x2  }
0x1d8: {  	s28 =	simm.s32 $0x40;
	s29 =	sshrl.u32 s1, $0x18  }
0x1d9: {  	s1 =	sshll.u32 s29, $0x4  }
0x1da: {  	s1 =	sadd.s32 $0x7FF0, s1  }
.LBB2_28:
0x1db: {  	v5 =	vld [tilespmem:s1+$0x0];
	_ =	sdelay $0x4  }
0x1dc: {  	(xrf0) =	vadd.scan.msk.s32 $0xffff, v5;
	_ =	sdelay $0x5  }
0x1dd: {  	v5, _, _ =	vpop (xrf0)  }
0x1de: {  	(v2sf) =	vpush v5, $0xF;
	_ =	sdelay $0xe  }
0x1df: {  	s8 =	smov.u32 s0;
	s31 =	spop (v2sf)  }
0x1e0: {  	s0 =	sadd.s32 s8, s31  }
0x1e1: {  	p1 =	slt.s32 s0, $0x40  }
.Ltmp20:
0x1e2: {  	_ = 	snop;
	(pc) =	sbr.rel @p1 .LBB2_28-.Ltmp20, $2  }
0x1e3: {  	_ =	sdelay $0x2  }
0x1e4: {  	s29 =	sadd.s32 $0xFFFFFFFF, s29;
	s1 =	sadd.s32 $0xFFFFFFF0, s1  }
0x1e5: {  	s28 =	ssub.s32 $0x40, s8  }
.LBB2_30:
0x1e6: {  	p1 =	seq.s32 s29, $0xC0  }
.Ltmp21:
0x1e7: {  	_ = 	snop;
	(pc) =	sbr.rel @p1 .LBB2_34-.Ltmp21, $1  }
0x1e8: {  	_ =	sdelay $0x3  }
0x1e9: {  	s0 =	simm.s32 $0x2040  }
0x1ea: {  	v4 =	vld [tilespmem:s0+$0x30]  }
0x1eb: {  	v5 =	vld [tilespmem:s0+$0x20]  }
0x1ec: {  	v6 =	vld [tilespmem:s0+$0x10]  }
0x1ed: {  	v9 =	vld [tilespmem:s0+$0x0]  }
0x1ee: {  	v7 =	vld [tilespmem:s0+$0xFFFFFFF0]  }
0x1ef: {  	v13 =	vld [tilespmem:s0+$0xFFFFFFE0]  }
0x1f0: {  	v14 =	vld [tilespmem:s0+$0xFFFFFFD0]  }
0x1f1: {  	v17 =	vimm.s32 $0x0;
	v15 =	vld [tilespmem:s0+$0xFFFFFFC0]  }
0x1f2: {  	v10 =	vshll.u32 v17, $0x4  }
0x1f3: {  	v8 =	vmov s29;
	v12 =	vor.u32 v0, v10;
	v10 =	vshra.s32 v4, $0x1F  }
0x1f4: {  	v11 =	vshra.s32 v9, $0x1F;
	v16 =	vshra.s32 v6, $0x1F;
	v18 =	vshra.s32 v5, $0x1F  }
0x1f5: {  	v19 =	vshra.s32 v14, $0x1F;
	v20 =	vshra.s32 v13, $0x1F;
	v21 =	vshra.s32 v7, $0x1F  }
0x1f6: {  	v22 =	vshra.s32 v15, $0x1F;
	v18 =	vand.u32 $0x7FFFFFFF, v18;
	v23 =	vand.u32 $0x7FFFFFFF, v10  }
0x1f7: {  	v21 =	vand.u32 $0x7FFFFFFF, v21;
	v24 =	vand.u32 $0x7FFFFFFF, v11;
	v10 =	vand.u32 $0x7FFFFFFF, v16  }
0x1f8: {  	v16 =	vand.u32 $0x7FFFFFFF, v22;
	v19 =	vand.u32 $0x7FFFFFFF, v19;
	v20 =	vand.u32 $0x7FFFFFFF, v20  }
0x1f9: {  	v6 =	vxor.u32 v6, v10;
	v10 =	vxor.u32 v5, v18;
	v11 =	vxor.u32 v4, v23  }
0x1fa: {  	v4 =	vxor.u32 v13, v20;
	v7 =	vxor.u32 v7, v21;
	v9 =	vxor.u32 v9, v24  }
0x1fb: {  	v13 =	vxor.u32 v15, v16;
	v5 =	vxor.u32 v14, v19;
	v14 =	vshrl.u32 v11, $0x18  }
0x1fc: {  	v18 =	vshrl.u32 v9, $0x18;
	v19 =	vshrl.u32 v6, $0x18;
	v15 =	vshrl.u32 v10, $0x18  }
0x1fd: {  	v20 =	vshrl.u32 v5, $0x18;
	v21 =	vshrl.u32 v4, $0x18;
	v22 =	vshrl.u32 v7, $0x18  }
0x1fe: {  	v23 =	vshrl.u32 v13, $0x18;
	v16 =	vxor.u32 v8, v15;
	v15 =	vxor.u32 v8, v14  }
0x1ff: {  	v14 =	vxor.u32 v8, v23;
	v23 =	vxor.u32 v8, v18;
	v19 =	vxor.u32 v8, v19  }
0x200: {  	v18 =	vxor.u32 v8, v22;
	vm4 =	veq.s32 v14, $0x80;
	v14 =	vxor.u32 v8, v20  }
0x201: {  	v21 =	vxor.u32 v8, v21;
	v20 =	vsel vm4, $0x1, v1;
	vm0 =	veq.s32 v14, $0x80  }
0x202: {  	vm1 =	veq.s32 v21, $0x80;
	v14 =	vadd.s32 v20, v17;
	v17 =	vsel vm0, $0x1, v1  }
0x203: {  	vm2 =	veq.s32 v18, $0x80;
	v20 =	vsel vm1, $0x1, v1;
	v17 =	vadd.s32 v17, v14  }
0x204: {  	s30 =	simm.s32 $0x0;
	s31 =	simm.s32 $0x20C0;
	vm3 =	veq.s32 v23, $0x80;
	v18 =	vadd.s32 v20, v17;
	v20 =	vsel vm2, $0x1, v1  }
.LBB2_32:
0x205: {  	v21 =	vld [tilespmem:s31+$0x30];
	v20 =	vadd.s32 v20, v18;
	v22 =	vsel vm3, $0x1, v1;
	vm5 =	veq.s32 v19, $0x80  }
0x206: {  	v19 =	vld [tilespmem:s31+$0x20];
	[tilespmem:v12+s15+$0x0] =	vst.idx.msk vm4, v13;
	v12 =	vadd.s32 v22, v20;
	v13 =	vsel vm5, $0x1, v1;
	vm4 =	veq.s32 v16, $0x80  }
0x207: {  	vm6 =	veq.s32 v15, $0x80;
	v16 =	vld [tilespmem:s31+$0x10];
	v13 =	vadd.s32 v13, v12;
	v22 =	vsel vm4, $0x1, v1  }
0x208: {  	v15 =	vld [tilespmem:s31+$0x0];
	v23 =	vshll.u32 v13, $0x4;
	v13 =	vadd.s32 v22, v13;
	v22 =	vsel vm6, $0x1, v1  }
0x209: {  	v12 =	vshll.u32 v12, $0x4;
	v24 =	vld [tilespmem:s31+$0xFFFFFFF0];
	v25 =	vshll.u32 v13, $0x4;
	v22 =	vadd.s32 v22, v13  }
0x20a: {  	v17 =	vshll.u32 v17, $0x4;
	v18 =	vshll.u32 v18, $0x4;
	v20 =	vshll.u32 v20, $0x4;
	v13 =	vld [tilespmem:s31+$0xFFFFFFE0]  }
0x20b: {  	s30 =	sadd.s32 $0x8, s30;
	v14 =	vshll.u32 v14, $0x4;
	v26 =	vshll.u32 v22, $0x4;
	v25 =	vor.u32 v0, v25;
	v27 =	vld [tilespmem:s31+$0xFFFFFFD0]  }
0x20c: {  	p1 =	slt.u32 s30, $0x1F8;
	v20 =	vor.u32 v0, v20;
	v29 =	vor.u32 v0, v12;
	v23 =	vor.u32 v0, v23;
	v28 =	vld [tilespmem:s31+$0xFFFFFFC0]  }
0x20d: {  	v14 =	vor.u32 v0, v14;
	v17 =	vor.u32 v0, v17;
	v18 =	vor.u32 v0, v18  }
0x20e: {  	v12 =	vor.u32 v0, v26;
	v26 =	vshra.s32 v21, $0x1F  }
0x20f: {  	v32 =	vshra.s32 v19, $0x1F;
	v31 =	vshra.s32 v16, $0x1F;
	v30 =	vshra.s32 v15, $0x1F  }
0x210: {  	v35 =	vshra.s32 v24, $0x1F;
	v34 =	vshra.s32 v13, $0x1F;
	v33 =	vshra.s32 v27, $0x1F;
	[tilespmem:v25+s15+$0x0] =	vst.idx.msk vm6, v11  }
0x211: {  	v26 =	vand.u32 $0x7FFFFFFF, v26;
	v25 =	vand.u32 $0x7FFFFFFF, v32;
	v11 =	vshra.s32 v28, $0x1F;
	[tilespmem:v23+s15+$0x0] =	vst.idx.msk vm4, v10  }
0x212: {  	v30 =	vand.u32 $0x7FFFFFFF, v30;
	v23 =	vand.u32 $0x7FFFFFFF, v35;
	v10 =	vand.u32 $0x7FFFFFFF, v31;
	[tilespmem:v29+s15+$0x0] =	vst.idx.msk vm5, v6  }
0x213: {  	v32 =	vand.u32 $0x7FFFFFFF, v34;
	v31 =	vand.u32 $0x7FFFFFFF, v33;
	v29 =	vand.u32 $0x7FFFFFFF, v11;
	[tilespmem:v20+s15+$0x0] =	vst.idx.msk vm3, v9  }
0x214: {  	v6 =	vxor.u32 v16, v10;
	v10 =	vxor.u32 v19, v25;
	v11 =	vxor.u32 v21, v26  }
0x215: {  	v16 =	vxor.u32 v13, v32;
	v19 =	vxor.u32 v24, v23;
	v9 =	vxor.u32 v15, v30  }
0x216: {  	v13 =	vxor.u32 v28, v29;
	v15 =	vxor.u32 v27, v31;
	v20 =	vshrl.u32 v11, $0x18;
	[tilespmem:v18+s15+$0x0] =	vst.idx.msk vm2, v7  }
0x217: {  	v21 =	vshrl.u32 v6, $0x18;
	v23 =	vshrl.u32 v10, $0x18;
	v18 =	vshrl.u32 v9, $0x18;
	v7 =	vmovc v19;
	[tilespmem:v17+s15+$0x0] =	vst.idx.msk vm1, v4;
	v4 =	vmovc v16  }
0x218: {  	v17 =	vshrl.u32 v15, $0x18;
	v25 =	vshrl.u32 v7, $0x18;
	v24 =	vshrl.u32 v4, $0x18;
	[tilespmem:v14+s15+$0x0] =	vst.idx.msk vm0, v5;
	v5 =	vmovc v15  }
0x219: {  	v16 =	vxor.u32 v8, v23;
	v14 =	vshrl.u32 v13, $0x18;
	v15 =	vxor.u32 v8, v20  }
0x21a: {  	v19 =	vxor.u32 v8, v21;
	v23 =	vxor.u32 v8, v18;
	v14 =	vxor.u32 v8, v14  }
.Ltmp22:
0x21b: {  	v18 =	vxor.u32 v8, v25;
	vm4 =	veq.s32 v14, $0x80;
	v14 =	vxor.u32 v8, v17;
	(pc) =	sbr.rel @p1 .LBB2_32-.Ltmp22, $4  }
0x21c: {  	v20 =	vxor.u32 v8, v24;
	v17 =	vsel vm4, $0x1, v1;
	vm0 =	veq.s32 v14, $0x80  }
0x21d: {  	vm1 =	veq.s32 v20, $0x80;
	v14 =	vadd.s32 v17, v22;
	v17 =	vsel vm0, $0x1, v1  }
0x21e: {  	vm2 =	veq.s32 v18, $0x80;
	v20 =	vsel vm1, $0x1, v1;
	v17 =	vadd.s32 v17, v14  }
0x21f: {  	s31 =	sadd.s32 $0x80, s31;
	vm3 =	veq.s32 v23, $0x80;
	v18 =	vadd.s32 v20, v17;
	v20 =	vsel vm2, $0x1, v1  }
0x220: {  	_ =	sdelay $0x1  }
0x221: {  	v8 =	vadd.s32 v20, v18;
	v54 =	vsel vm3, $0x1, v1  }
0x222: {  	vm5 =	veq.s32 v19, $0x80;
	vm6 =	veq.s32 v16, $0x80;
	v60 =	vshll.u32 v18, $0x4  }
0x223: {  	v61 =	vshll.u32 v17, $0x4;
	v14 =	vshll.u32 v14, $0x4;
	v62 =	vor.u32 v0, v60  }
0x224: {  	[tilespmem:v12+s15+$0x0] =	vst.idx.msk vm4, v13;
	v55 =	vadd.s32 v54, v8;
	v56 =	vsel vm5, $0x1, v1;
	v12 =	vor.u32 v0, v61  }
0x225: {  	v58 =	vsel vm6, $0x1, v1;
	v8 =	vshll.u32 v8, $0x4;
	v63 =	vor.u32 v0, v14  }
0x226: {  	v57 =	vadd.s32 v56, v55;
	v19 =	vshll.u32 v55, $0x4;
	v8 =	vor.u32 v0, v8  }
0x227: {  	v20 =	vadd.s32 v58, v57;
	v16 =	vshll.u32 v57, $0x4;
	v19 =	vor.u32 v0, v19  }
0x228: {  	vm7 =	veq.s32 v15, $0x80;
	v59 =	vshll.u32 v20, $0x4;
	v16 =	vor.u32 v0, v16;
	[tilespmem:v62+s15+$0x0] =	vst.idx.msk vm2, v7  }
0x229: {  	v15 =	vor.u32 v0, v59;
	[tilespmem:v12+s15+$0x0] =	vst.idx.msk vm1, v4  }
0x22a: {  	[tilespmem:v63+s15+$0x0] =	vst.idx.msk vm0, v5  }
0x22b: {  	[tilespmem:v8+s15+$0x0] =	vst.idx.msk vm3, v9  }
0x22c: {  	[tilespmem:v19+s15+$0x0] =	vst.idx.msk vm5, v6  }
0x22d: {  	v6 =	vsel vm7, $0x1, v1;
	[tilespmem:v16+s15+$0x0] =	vst.idx.msk vm6, v10  }
0x22e: {  	v4 =	vadd.s32 v6, v20;
	[tilespmem:v15+s15+$0x0] =	vst.idx.msk vm7, v11  }
.LBB2_34:
0x22f: {  	v5 =	vxor.u32 $0x80000000, v4  }
0x230: {  	(xrf0) =	vmax.scan.msk.u32 $0xffff, v5;
	_ =	sdelay $0x5  }
0x231: {  	v5, _, _ =	vpop (xrf0)  }
0x232: {  	(v2sf) =	vpush v5, $0xF;
	_ =	sdelay $0x9  }
0x233: {  	p1 =	slt.s32 s28, $0x0  }
.Ltmp23:
0x234: {  	_ = 	snop;
	(pc) =	sbr.rel @p1 .LBB2_40-.Ltmp23, $2  }
0x235: {  	_ =	sdelay $0x2  }
0x236: {  	s29 =	sshll.u32 s29, $0x18;
	s0 =	spop (v2sf)  }
.Ltmp24:
0x237: {  	(pc) =	sbr.rel .LBB2_36-.Ltmp24, $2  }
0x238: {  	_ =	sdelay $0x2  }
0x239: {  	s30 =	sxor.u32 $0x80000000, s0;
	s1 =	simm.s32 $0x0  }
.LBB2_37:
0x23a: {  	v5 =	vimm.s32 $0x0  }
.LBB2_38:
0x23b: {  	(xrf0) =	vadd.scan.msk.s32 $0xffff, v5;
	_ =	sdelay $0x5  }
0x23c: {  	v5, _, _ =	vpop (xrf0)  }
0x23d: {  	(v2sf) =	vpush v5, $0xF;
	_ =	sdelay $0xe  }
0x23e: {  	p1 =	sgt.u32 s1, $0x16;
	s0 =	spop (v2sf)  }
0x23f: {  	p2 =	slt.s32 s0, s28;
	p3 =	seq.s32 @!p1 s0, s28  }
0x240: {  	s31 =	smov.u32 @p2 s29;
	p2 =	por p1, p3  }
.Ltmp25:
0x241: {  	_ = 	snop;
	(pc) =	sbr.rel @p2 .LBB2_39-.Ltmp25, $2  }
0x242: {  	_ =	sdelay $0x2  }
0x243: {  	s1 =	sadd.s32 $0x1, s1;
	s29 =	smov.u32 s31  }
.LBB2_36:
0x244: {  	p1 =	slt.s32 s30, $0x1  }
.Ltmp26:
0x245: {  	_ = 	snop;
	(pc) =	sbr.rel @p1 .LBB2_37-.Ltmp26, $3  }
0x246: {  	_ =	sdelay $0x1  }
0x247: {  	s0 =	sshrl.u32 s21, s1  }
0x248: {  	s31 =	sor.u32 s0, s29  }
0x249: {  	p2 =	seq.s32 s30, $0x1  }
.Ltmp27:
0x24a: {  	_ = 	snop;
	(pc) =	sbr.rel @p2 .LBB2_55-.Ltmp27, $3  }
0x24b: {  	_ =	sdelay $0x1  }
0x24c: {  	s0 =	sxor.u32 $0x80000000, s31;
	s9 =	simm.s32 $0x9000  }
0x24d: {  	s8 =	simm.s32 $0x0;
	v5 =	vimm.s32 $0x0;
	p1 =	por $0x0, $0x0;
	v6 =	vmov s0;
	s0 =	simm.s32 $0x1;
	v7 =	vld [tilespmem:s9+$0x0]  }
0x24e: {  	_ = 	snop  }
0x24f: {  	p2 =	seq.s32 s30, $0x2  }
.Ltmp28:
0x250: {  	_ = 	snop;
	(pc) =	sbr.rel @p2 .LBB2_57-.Ltmp28, $4  }
0x251: {  	_ = 	snop  }
0x252: {  	vm0 =	vgt.s32 v4, s8;
	vm1 =	vge.s32 v7, v6  }
0x253: {  	s8 =	simm.s32 $0x9010;
	vm0 =	vmand vm0, vm1  }
0x254: {  	s9 =	simm.s32 $0x2;
	p1 =	por $0x1, $0x1;
	v8 =	vimm.s32 $0x0;
	v7 =	vld [tilespmem:s8+$0x0];
	v9 =	vsel vm0, $0x1, v1  }
.LBB2_58:
0x255: {  	s7 =	smov.u32 s9;
	s9 =	sadd.s32 $0x1, s9  }
0x256: {  	v8 =	vadd.s32 v9, v8;
	p2 =	seq.s32 s30, s9  }
.Ltmp29:
0x257: {  	(pc) =	sbr.rel @!p2 .LBB2_58-.Ltmp29, $4  }
0x258: {  	_ = 	snop  }
0x259: {  	vm0 =	vgt.s32 v4, s0;
	s8 =	sadd.s32 $0x10, s8;
	s0 =	smov.u32 s7;
	vm1 =	vge.s32 v7, v6  }
0x25a: {  	v7 =	vld [tilespmem:s8+$0x0];
	vm0 =	vmand vm0, vm1  }
0x25b: {  	v9 =	vsel vm0, $0x1, v1  }
0x25c: {  	s8 =	smov.u32 s0  }
.LBB2_60:
0x25d: {  	_ = 	snop  }
.Ltmp30:
0x25e: {  	_ = 	snop;
	(pc) =	sbr.rel .LBB2_38-.Ltmp30, $4  }
0x25f: {  	vm0 =	vgt.s32 v4, s8;
	vm1 =	vge.s32 v7, v6  }
0x260: {  	v6 =	vadd.s32 @p1 v9, v8;
	vm0 =	vmand vm0, vm1  }
0x261: {  	v5 =	vpsel p1, v6, v5;
	v7 =	vsel vm0, $0x1, v1  }
0x262: {  	v5 =	vadd.s32 v7, v5  }
.LBB2_55:
.Ltmp31:
0x263: {  	(pc) =	sbr.rel .LBB2_60-.Ltmp31, $2  }
0x264: {  	_ =	sdelay $0x2  }
0x265: {  	v8 =	vimm.s32 $0x0  }
.LBB2_57:
.Ltmp32:
0x266: {  	(pc) =	sbr.rel .LBB2_60-.Ltmp32, $2  }
0x267: {  	_ =	sdelay $0x2  }
0x268: {  	v8 =	vimm.s32 $0x0;
	s8 =	simm.s32 $0x1  }
.LBB2_39:
0x269: {  	s31 =	smov.u32 @p1 s31  }
0x26a: {  	s29 =	smov.u32 s31  }
.LBB2_40:
0x26b: {  	p1 =	sgt.s32 s29, $0xFFFFFFFF;
	s0 =	simm.s32 $0xFFFFFFFF;
	s1 =	simm.s32 $0x2040  }
0x26c: {  	s0 =	simm.s32 @!p1 $0x80000000;
	v5 =	vld [tilespmem:s1+$0x30]  }
0x26d: {  	v6 =	vld [tilespmem:s1+$0xFFFFFFD0];
	s0 =	sxor.u32 s29, s0  }
0x26e: {  	v4 =	vmov s0  }
0x26f: {  	v4 =	vbroadcast v4, $0x0  }
0x270: {  	v7 =	vld [tilespmem:s1+$0xFFFFFFE0]  }
0x271: {  	v10 =	vld [tilespmem:s1+$0xFFFFFFC0];
	vm0 =	vge.f32 v5, v4  }
0x272: {  	v8 =	vld [tilespmem:s1+$0xFFFFFFF0];
	s29 =	simm.s32 $0x6040;
	vm11 =	vge.f32 v6, v4;
	v5 =	vnsel vm0, $0x0, v5  }
0x273: {  	v9 =	vld [tilespmem:s1+$0x0];
	v6 =	vnsel vm11, $0x0, v6;
	[tilespmem:s29+$0x30] =	vst v5  }
0x274: {  	s30 =	simm.s32 $0x8040;
	v11 =	vld [tilespmem:s1+$0x20];
	[tilespmem:s29+$0xFFFFFFD0] =	vst v6  }
0x275: {  	vm12 =	vge.f32 v7, v4;
	v5 =	vld [tilespmem:s1+$0x10];
	[tilespmem:s30+$0x30] =	vst v1  }
0x276: {  	vm14 =	vge.f32 v10, v4;
	v6 =	vnsel vm12, $0x0, v7;
	[tilespmem:s30+$0xFFFFFFD0] =	vst v1  }
0x277: {  	v7 =	vnsel vm14, $0x0, v10;
	[tilespmem:s29+$0xFFFFFFE0] =	vst v6  }
0x278: {  	vm13 =	vge.f32 v8, v4;
	[tilespmem:s29+$0xFFFFFFC0] =	vst v7  }
0x279: {  	v6 =	vnsel vm13, $0x0, v8;
	[tilespmem:s30+$0xFFFFFFE0] =	vst v1  }
0x27a: {  	s31 =	simm.s32 $0x3070;
	vm15 =	vge.f32 v9, v4;
	vm2 =	vge.f32 v11, v4;
	[tilespmem:s29+$0xFFFFFFF0] =	vst v6;
	vm1 =	vge.f32 v5, v4  }
0x27b: {  	s28 =	simm.s32 $0x7070;
	s0 =	simm.s32 $0x20C0;
	s1 =	simm.s32 $0x0;
	v7 =	vnsel vm15, $0x0, v9;
	[tilespmem:s30+$0xFFFFFFC0] =	vst v1;
	v6 =	vnsel vm1, $0x0, v5;
	v5 =	vnsel vm2, $0x0, v11  }
.LBB2_41:
0x27c: {  	v8 =	vld [tilespmem:s0+$0x30];
	[tilespmem:s30+$0xFFFFFFF0] =	vst v1  }
0x27d: {  	s1 =	sadd.s32 $0x8, s1;
	v9 =	vld [tilespmem:s0+$0xFFFFFFD0];
	[tilespmem:s29+$0x0] =	vst v7  }
0x27e: {  	p1 =	slt.u32 s1, $0xF8;
	v7 =	vld [tilespmem:s0+$0xFFFFFFE0];
	[tilespmem:s30+$0x0] =	vst v1  }
0x27f: {  	v10 =	vld [tilespmem:s0+$0xFFFFFFF0];
	[tilespmem:s29+$0x10] =	vst v6  }
0x280: {  	v6 =	vld [tilespmem:s0+$0x0];
	[tilespmem:s30+$0x10] =	vst v1  }
0x281: {  	v11 =	vld [tilespmem:s0+$0x10];
	vm0 =	vge.f32 v8, v4;
	[tilespmem:s29+$0x20] =	vst v5  }
0x282: {  	s29 =	sadd.s32 $0x80, s29;
	vm1 =	vge.f32 v9, v4;
	v5 =	vld [tilespmem:s0+$0x20];
	v8 =	vnsel vm0, $0x0, v8;
	[tilespmem:s30+$0x20] =	vst v1  }
0x283: {  	s30 =	sadd.s32 $0x80, s30;
	v12 =	vld [tilespmem:s0+$0xFFFFFFC0];
	v9 =	vnsel vm1, $0x0, v9;
	vm0 =	vge.f32 v7, v4;
	[tilespmem:s29+$0x30] =	vst v8  }
0x284: {  	v8 =	vnsel vm0, $0x0, v7;
	vm0 =	vge.f32 v10, v4;
	[tilespmem:s30+$0x30] =	vst v1  }
0x285: {  	[tilespmem:s29+$0xFFFFFFD0] =	vst v9;
	v9 =	vnsel vm0, $0x0, v10;
	vm0 =	vge.f32 v6, v4  }
0x286: {  	[tilespmem:s30+$0xFFFFFFD0] =	vst v1;
	v7 =	vnsel vm0, $0x0, v6;
	vm0 =	vge.f32 v11, v4  }
.Ltmp33:
0x287: {  	[tilespmem:s29+$0xFFFFFFE0] =	vst v8;
	v6 =	vnsel vm0, $0x0, v11;
	vm0 =	vge.f32 v5, v4;
	(pc) =	sbr.rel @p1 .LBB2_41-.Ltmp33, $4  }
0x288: {  	vm1 =	vge.f32 v12, v4;
	[tilespmem:s30+$0xFFFFFFE0] =	vst v1;
	v5 =	vnsel vm0, $0x0, v5  }
0x289: {  	v8 =	vnsel vm1, $0x0, v12;
	[tilespmem:s29+$0xFFFFFFF0] =	vst v9  }
0x28a: {  	[tilespmem:s29+$0xFFFFFFC0] =	vst v8  }
0x28b: {  	s0 =	sadd.s32 $0x80, s0;
	[tilespmem:s30+$0xFFFFFFC0] =	vst v1  }
0x28c: {  	[tilespmem:s30+$0xFFFFFFF0] =	vst v1  }
0x28d: {  	[tilespmem:s29+$0x0] =	vst v7  }
0x28e: {  	[tilespmem:s29+$0x10] =	vst v6  }
0x28f: {  	[tilespmem:s29+$0x20] =	vst v5  }
0x290: {  	[tilespmem:s30+$0x0] =	vst v1  }
0x291: {  	[tilespmem:s30+$0x10] =	vst v1  }
0x292: {  	[tilespmem:s30+$0x20] =	vst v1  }
0x293: {  	v8 =	vld [tilespmem:s31+$0x0]  }
0x294: {  	v11 =	vld [tilespmem:s31+$0xFFFFFFA0]  }
0x295: {  	v10 =	vld [tilespmem:s31+$0xFFFFFFB0]  }
0x296: {  	v9 =	vld [tilespmem:s31+$0xFFFFFFC0]  }
0x297: {  	v7 =	vld [tilespmem:s31+$0xFFFFFFD0]  }
0x298: {  	v6 =	vld [tilespmem:s31+$0xFFFFFFE0];
	vm0 =	vge.f32 v8, v4  }
0x299: {  	v5 =	vld [tilespmem:s31+$0xFFFFFFF0];
	vm1 =	vge.f32 v11, v4;
	v12 =	vnsel vm0, $0x0, v8  }
0x29a: {  	s0 =	simm.s32 $0x100;
	s1 =	simm.s32 $0x30F0;
	v8 =	vld [tilespmem:s31+$0xFFFFFF90];
	v11 =	vnsel vm1, $0x0, v11;
	vm0 =	vge.f32 v10, v4;
	[tilespmem:s28+$0x0] =	vst v12  }
.LBB2_43:
0x29b: {  	v12 =	vld [tilespmem:s1+$0x0];
	s0 =	sadd.s32 $0x8, s0;
	[tilespmem:s28+$0xFFFFFFA0] =	vst v11;
	v10 =	vnsel vm0, $0x0, v10;
	vm0 =	vge.f32 v9, v4  }
0x29c: {  	v11 =	vld [tilespmem:s1+$0xFFFFFFA0];
	p1 =	slt.u32 s0, $0x1F8;
	[tilespmem:s28+$0xFFFFFFB0] =	vst v10;
	v9 =	vnsel vm0, $0x0, v9;
	vm0 =	vge.f32 v7, v4  }
0x29d: {  	v10 =	vld [tilespmem:s1+$0xFFFFFFB0];
	[tilespmem:s28+$0xFFFFFFC0] =	vst v9;
	v7 =	vnsel vm0, $0x0, v7;
	vm0 =	vge.f32 v6, v4  }
.Ltmp34:
0x29e: {  	v9 =	vld [tilespmem:s1+$0xFFFFFFC0];
	[tilespmem:s28+$0xFFFFFFD0] =	vst v7;
	v6 =	vnsel vm0, $0x0, v6;
	vm0 =	vge.f32 v5, v4;
	(pc) =	sbr.rel @p1 .LBB2_43-.Ltmp34, $4  }
0x29f: {  	v7 =	vld [tilespmem:s1+$0xFFFFFFD0];
	vm1 =	vge.f32 v8, v4;
	[tilespmem:s28+$0xFFFFFFE0] =	vst v6;
	v5 =	vnsel vm0, $0x0, v5  }
0x2a0: {  	v6 =	vld [tilespmem:s1+$0xFFFFFFE0];
	vm0 =	vge.f32 v12, v4;
	v8 =	vnsel vm1, $0x0, v8;
	[tilespmem:s28+$0xFFFFFFF0] =	vst v5  }
0x2a1: {  	vm1 =	vge.f32 v11, v4;
	v5 =	vld [tilespmem:s1+$0xFFFFFFF0];
	v12 =	vnsel vm0, $0x0, v12;
	[tilespmem:s28+$0xFFFFFF90] =	vst v8;
	s28 =	sadd.s32 $0x80, s28  }
0x2a2: {  	v8 =	vld [tilespmem:s1+$0xFFFFFF90];
	v11 =	vnsel vm1, $0x0, v11;
	vm0 =	vge.f32 v10, v4;
	[tilespmem:s28+$0x0] =	vst v12;
	s1 =	sadd.s32 $0x80, s1  }
0x2a3: {  	[tilespmem:s28+$0xFFFFFFA0] =	vst v11;
	v10 =	vnsel vm0, $0x0, v10;
	vm12 =	vge.f32 v9, v4  }
0x2a4: {  	[tilespmem:s28+$0xFFFFFFB0] =	vst v10;
	v9 =	vnsel vm12, $0x0, v9;
	vm13 =	vge.f32 v7, v4  }
0x2a5: {  	[tilespmem:s28+$0xFFFFFFC0] =	vst v9;
	v7 =	vnsel vm13, $0x0, v7;
	vm14 =	vge.f32 v6, v4  }
0x2a6: {  	[tilespmem:s28+$0xFFFFFFD0] =	vst v7;
	v6 =	vnsel vm14, $0x0, v6;
	vm15 =	vge.f32 v5, v4  }
0x2a7: {  	vm1 =	vge.f32 v8, v4;
	[tilespmem:s28+$0xFFFFFFE0] =	vst v6;
	v4 =	vnsel vm15, $0x0, v5  }
0x2a8: {  	v5 =	vnsel vm1, $0x0, v8;
	[tilespmem:s28+$0xFFFFFFF0] =	vst v4  }
0x2a9: {  	s0 =	simm.s32 @!p0 $0x4;
	s1 =	sadd.s32 s5, s26;
	[tilespmem:s28+$0xFFFFFF90] =	vst v5  }
0x2aa: {  	s30 =	sadd.s32 $0x3, s24;
	s1 =	sadd.s32 s25, s1;
	_ =	swait.ge @!p0 [sflag:s0], $0x2000  }
0x2ab: {  	s23 =	sadd.s32 $0x1, s23;
	s29 =	sadd.s32 $0x10, s1;
	[sflag:s0] =	ssyncset.done @!p0 $0x0  }
0x2ac: {  	[sflag:s0] =	ssyncadd.s32 @!p0 $0xFFFFE000;
	s0 =	smin.u32 s30, s6;
	p0 =	sne.s32 s23, $0x22  }
0x2ad: {  	[hbm4b:s29+s10] =	stream.strided.scatter [tilespmem:s18], [sflag:$0x4], $0x2000, s11, s10, $0x38;
	[tilespmem:$0xB080] =	vst v63  }
.Ltmp35:
0x2ae: {  	s31 =	sshll.u32 s0, $0x4;
	(pc) =	sbr.rel @p0 .LBB2_4-.Ltmp35, $4  }
0x2af: {  	s0 =	sshll.u32 s0, $0xA;
	s1 =	sand.u32 $0x70, s31  }
0x2b0: {  	s0 =	sand.u32 $0x7FE000, s0;
	s1 =	sadd.s32 s2, s1  }
0x2b1: {  	s0 =	sadd.s32 s0, s1  }
0x2b2: {  	[tilespmem:s12], [sflag:$0x2] =	stream.strided.gather [hbm4b:s0+s10], $0x2000, s11, s10, $0x38;
	[tilespmem:$0xB080] =	vst v63  }
0x2b3: {  	_ =	swait.ge [sflag:s19], $0x2000  }
0x2b4: {  	[sflag:s19] =	ssyncset.done $0x0  }
0x2b5: {  	[sflag:s19] =	ssyncadd.s32 $0xFFFFE000  }
0x2b6: {  	_ =	swait.ge [sflag:s20], $0x2000  }
0x2b7: {  	[sflag:s20] =	ssyncset.done $0x0  }
0x2b8: {  	[sflag:s20] =	ssyncadd.s32 $0xFFFFE000  }
0x2b9: {  	_ =	swait.ge [sflag:s13], $0x2000  }
0x2ba: {  	[sflag:s13] =	ssyncset.done $0x0  }
0x2bb: {  	[sflag:s13] =	ssyncadd.s32 $0xFFFFE000  }
0x2bc: {  	_ =	swait.ge [sflag:s17], $0x2000  }
0x2bd: {  	s22 =	sadd.s32 $0x1, s22;
	s0 =	rddreg [dreg:$0x5]  }
0x2be: {  	p0 =	sne.s32 s22, s0  }
.Ltmp36:
0x2bf: {  	_ = 	snop;
	(pc) =	sbr.rel @p0 .LBB2_1-.Ltmp36, $3  }
0x2c0: {  	_ =	sdelay $0x1  }
0x2c1: {  	[sflag:s17] =	ssyncset.done $0x0  }
0x2c2: {  	[sflag:s17] =	ssyncadd.s32 $0xFFFFE000  }
0x2c3: {  	_ =	sfence.sel $0x180000  }
0x2c4: {  	[bflag:$0x0] =	sbarrier.arrive $0xFFFF  }
0x2c5: {  	_ =	strace $0x90000047  }
0x2c6: {  	s0 =	stileid.u32;
	[bflag:$0x2] =	sbarrier.arrive $0xFFFF  }
0x2c7: {  	p0 =	sne.s32 s0, $0x0;
	s0 =	rddreg [dreg:$0x2]  }
0x2c8: {  	s0 =	sadd.s32 @!p0 $0x100000, s0  }
0x2c9: {  	[sflag:s0] =	ssyncadd.tile.s32 @!p0 $0x1;
	_ =	shalt  }
.Lfunc_end2:
_tile_overlayer_lowered:
.L_overlay_start_2:
0x2ca: {  	(tag) =	ssettag $0x2  }
0x2cb: {  	s0 =	rddreg [dreg:$0x0];
	s2 =	stileid.u32  }
0x2cc: {  	s1 =	rddreg [dreg:$0x1];
	p0 =	sne.s32 s2, $0x0  }
0x2cd: {  	s3 =	rddreg [dreg:$0x2];
	[bflag:$0x3] =	sbarrier.arrive $0xFFFF;
	s2 =	simm.s32 @!p0 $0x1C05  }
0x2ce: {  	[timem:s3], [sflag:s2] =	dma.local @!p0 [hbm:s0], s1  }
0x2cf: {  	s0 =	simm.s32 @!p0 $0x5  }
0x2d0: {  	_ =	swait.ge @!p0 [sflag:s0], s1  }
0x2d1: {  	s1 =	ssub.s32 @!p0 $0x0, s1;
	[sflag:s0] =	ssyncset.done @!p0 $0x0  }
0x2d2: {  	[sflag:s0] =	ssyncadd.s32 @!p0 s1  }
0x2d3: {  	[bflag:$0x3] =	sbarrier.arrive $0xFFFF  }
0x2d4: {  	_ =	shalt  }

</sc_bundles>
